<compile_context>
chip_gen: v7x
topology: tpu7x:2x2x1
jax: 0.10.2.dev20260603
libtpu: 0.0.44.dev20260713+nightly
codegen_flags: <defaults>
</compile_context>

<pallas_src>
import functools

import jax
import jax.numpy as jnp
import numpy as np
from jax import lax
from jax.experimental import pallas as pl
from jax.experimental.pallas import tpu as pltpu
from jax.experimental.pallas import tpu_sc as plsc

_EPS = 1e-5


def _fps_body(npoint, xyz_ref, c_ref):
    x = xyz_ref[:, 0, :]
    y = xyz_ref[:, 1, :]
    z = xyz_ref[:, 2, :]
    B, N = x.shape
    iota = lax.broadcasted_iota(jnp.int32, (B, N), 1)
    slot = lax.broadcasted_iota(jnp.int32, (1, npoint), 1)

    def body(i, carry):
        dist, far, ax, ay, az = carry
        sel = iota == far
        cx = jnp.sum(jnp.where(sel, x, 0.0), axis=1, keepdims=True)
        cy = jnp.sum(jnp.where(sel, y, 0.0), axis=1, keepdims=True)
        cz = jnp.sum(jnp.where(sel, z, 0.0), axis=1, keepdims=True)
        hit = slot == i
        ax = jnp.where(hit, cx, ax)
        ay = jnp.where(hit, cy, ay)
        az = jnp.where(hit, cz, az)
        dx = x - cx
        dy = y - cy
        dz = z - cz
        d = dx * dx + dy * dy + dz * dz
        dist = jnp.minimum(dist, d)
        m = jnp.max(dist, axis=1, keepdims=True)
        far = jnp.min(jnp.where(dist == m, iota, N), axis=1, keepdims=True)
        return dist, far, ax, ay, az

    zc = jnp.zeros((B, npoint), jnp.float32)
    _, _, ax, ay, az = lax.fori_loop(
        0, npoint, body,
        (jnp.full((B, N), 1e10, jnp.float32), jnp.zeros((B, 1), jnp.int32),
         zc, zc, zc))
    c_ref[:, 0, :] = ax
    c_ref[:, 1, :] = ay
    c_ref[:, 2, :] = az


def _fps(xyz, npoint):
    B, _, N = xyz.shape
    return pl.pallas_call(
        functools.partial(_fps_body, npoint),
        out_shape=jax.ShapeDtypeStruct((B, 3, npoint), jnp.float32),
    )(xyz)


def _bqbits_body(r2, xyz_ref, ct_ref, pk_ref, bits_ref):
    pts = xyz_ref[0]
    ct = ct_ref[0]
    cross = jnp.dot(ct, pts, preferred_element_type=jnp.float32)
    c2 = jnp.sum(ct * ct, axis=1, keepdims=True)
    p2 = jnp.sum(pts * pts, axis=0, keepdims=True)
    d = -2.0 * cross
    d = d + c2
    d = d + p2
    mask = (d <= r2).astype(jnp.float32)
    bits_ref[0] = jnp.dot(mask, pk_ref[...], preferred_element_type=jnp.float32)


def _bqbits(radius, xyz, ct):
    B, _, N = xyz.shape
    S = ct.shape[1]
    NW = N // 32
    r2 = np.float32(float(radius) ** 2)
    n = np.arange(N)
    pk = np.zeros((N, 2 * NW), np.float32)
    bit = n % 32
    lo = bit < 16
    pk[n[lo], n[lo] // 32] = (2.0 ** bit[lo]).astype(np.float32)
    pk[n[~lo], NW + n[~lo] // 32] = (2.0 ** (bit[~lo] - 16)).astype(np.float32)
    return pl.pallas_call(
        functools.partial(_bqbits_body, r2),
        grid=(B,),
        in_specs=[
            pl.BlockSpec((1, 3, N), lambda b: (b, 0, 0)),
            pl.BlockSpec((1, S, 3), lambda b: (b, 0, 0)),
            pl.BlockSpec((N, 2 * NW), lambda b: (0, 0)),
        ],
        out_specs=pl.BlockSpec((1, S, 2 * NW), lambda b: (b, 0, 0)),
        out_shape=jax.ShapeDtypeStruct((B, S, 2 * NW), jnp.float32),
    )(xyz, ct, jnp.asarray(pk))


def _sc_ballgather(xyz, c, bits, K):
    B, _, N = xyz.shape
    S = c.shape[2]
    R = S * K
    SH = S // 2
    NPT = SH * K
    NW = N // 32
    NG = NW // 16
    BW = 2 * NW
    shift = int(np.log2(K))
    mesh = plsc.VectorSubcoreMesh(core_axis_name="c", subcore_axis_name="s")
    xs = xyz[:, 0, :].reshape(B * N)
    ys = xyz[:, 1, :].reshape(B * N)
    zs = xyz[:, 2, :].reshape(B * N)
    cxs = c[:, 0, :].reshape(B * S)
    cys = c[:, 1, :].reshape(B * S)
    czs = c[:, 2, :].reshape(B * S)
    bitsl = bits.reshape(B * S * BW)

    @functools.partial(
        pl.kernel,
        out_type=jax.ShapeDtypeStruct((B * R * 4,), jnp.float32),
        mesh=mesh,
        compiler_params=pltpu.CompilerParams(needs_layout_passes=False),
        scratch_types=[
            pltpu.VMEM((N,), jnp.float32),
            pltpu.VMEM((N,), jnp.float32),
            pltpu.VMEM((N,), jnp.float32),
            pltpu.VMEM((SH,), jnp.float32),
            pltpu.VMEM((SH,), jnp.float32),
            pltpu.VMEM((SH,), jnp.float32),
            pltpu.VMEM((SH * BW,), jnp.float32),
            pltpu.VMEM((NPT,), jnp.int32),
            pltpu.VMEM((NPT * 4,), jnp.float32),
        ],
    )
    def k(x_h, y_h, z_h, cx_h, cy_h, cz_h, bits_h, og_h,
          xv, yv, zv, cxv, cyv, czv, bv, idxb, bg):
        wid = lax.axis_index("s") * 2 + lax.axis_index("c")
        b = wid // 2
        half = wid - 2 * b
        s0 = half * SH
        r0 = b * R + s0 * K
        pltpu.sync_copy(x_h.at[pl.ds(b * N, N)], xv)
        pltpu.sync_copy(y_h.at[pl.ds(b * N, N)], yv)
        pltpu.sync_copy(z_h.at[pl.ds(b * N, N)], zv)
        pltpu.sync_copy(cx_h.at[pl.ds(b * S + s0, SH)], cxv)
        pltpu.sync_copy(cy_h.at[pl.ds(b * S + s0, SH)], cyv)
        pltpu.sync_copy(cz_h.at[pl.ds(b * S + s0, SH)], czv)
        pltpu.sync_copy(bits_h.at[pl.ds((b * S + s0) * BW, SH * BW)], bv)
        lane = lax.iota(jnp.int32, 16)

        def row_body(rl, _):
            rowbase = rl * K
            bitbase = rl * BW

            def grp_cond(st):
                return jnp.logical_and(st[0] < NG, st[1] < K)

            def grp_body(st):
                g, cnt = st
                off = bitbase + g * 16
                lov = lax.convert_element_type(bv[pl.ds(off, 16)], jnp.int32)
                hiv = lax.convert_element_type(bv[pl.ds(off + NW, 16)],
                                               jnp.int32)
                w = jnp.bitwise_or(lov, jnp.left_shift(hiv, 16))
                v = w - (lax.shift_right_logical(w, 1) & 0x55555555)
                v = (v & 0x33333333) + (lax.shift_right_logical(v, 2)
                                        & 0x33333333)
                v = (v + lax.shift_right_logical(v, 4)) & 0x0F0F0F0F
                v = v + lax.shift_right_logical(v, 8)
                pc = (v + lax.shift_right_logical(v, 16)) & 0x3F
                csum = plsc.cumsum(pc)
                o = cnt + (csum - pc)
                nbase = (g * 16 + lane) * 32

                def ext_cond(st2):
                    return jnp.any(st2[0] != 0)

                def ext_body(st2):
                    ww, ext = st2
                    m = ww & (-ww)
                    f = lax.convert_element_type(m, jnp.float32)
                    e = (lax.shift_right_logical(
                        plsc.bitcast(f, jnp.int32), 23) & 0xFF) - 127
                    nz = ww != 0
                    pos = o + ext
                    plsc.store_scatter(idxb, [rowbase + pos], nbase + e,
                                       mask=jnp.logical_and(nz, pos < K))
                    return ww & (ww - 1), ext + nz.astype(jnp.int32)

                lax.while_loop(ext_cond, ext_body,
                               (w, jnp.zeros((16,), jnp.int32)))
                return g + 1, cnt + jnp.sum(pc)

            _, cnt = lax.while_loop(grp_cond, grp_body,
                                    (jnp.int32(0), jnp.int32(0)))
            f0 = plsc.load_gather(idxb, [jnp.zeros((16,), jnp.int32)
                                         + rowbase])
            for q in range(K // 16):
                sl = q * 16 + lane
                plsc.store_scatter(idxb, [rowbase + sl], f0, mask=sl >= cnt)
            return 0

        lax.fori_loop(0, SH, row_body, 0)

        zero16 = jnp.zeros((16,), jnp.float32)

        def body(g, _):
            base = g * 16
            flat = base + lane
            sloc = jnp.right_shift(flat, shift)
            iv = idxb[pl.ds(base, 16)]
            tgt = flat * 4
            plsc.store_scatter(bg, [tgt],
                               plsc.load_gather(xv, [iv])
                               - plsc.load_gather(cxv, [sloc]))
            plsc.store_scatter(bg, [tgt + 1],
                               plsc.load_gather(yv, [iv])
                               - plsc.load_gather(cyv, [sloc]))
            plsc.store_scatter(bg, [tgt + 2],
                               plsc.load_gather(zv, [iv])
                               - plsc.load_gather(czv, [sloc]))
            plsc.store_scatter(bg, [tgt + 3], zero16)
            return 0

        lax.fori_loop(0, NPT // 16, body, 0)
        pltpu.sync_copy(bg, og_h.at[pl.ds(r0 * 4, NPT * 4)])

    og = k(xs, ys, zs, cxs, cys, czs, bitsl)
    return og.reshape(B, R, 4)


def _sc_ballidx(bits, K):
    B, S, BW = bits.shape
    NW = BW // 2
    NG = NW // 16
    R = S * K
    SH = (B * S) // 32
    NPT = SH * K
    mesh = plsc.VectorSubcoreMesh(core_axis_name="c", subcore_axis_name="s")
    bitsl = bits.reshape(B * S * BW)

    @functools.partial(
        pl.kernel,
        out_type=jax.ShapeDtypeStruct((B * R,), jnp.int32),
        mesh=mesh,
        compiler_params=pltpu.CompilerParams(needs_layout_passes=False),
        scratch_types=[
            pltpu.VMEM((SH * BW,), jnp.float32),
            pltpu.VMEM((NPT,), jnp.int32),
        ],
    )
    def k(bits_h, oi_h, bv, idxb):
        wid = lax.axis_index("s") * 2 + lax.axis_index("c")
        row0 = wid * SH
        pltpu.sync_copy(bits_h.at[pl.ds(row0 * BW, SH * BW)], bv)
        lane = lax.iota(jnp.int32, 16)

        def row_body(rl, _):
            rowbase = rl * K
            bitbase = rl * BW

            def grp_cond(st):
                return jnp.logical_and(st[0] < NG, st[1] < K)

            def grp_body(st):
                g, cnt = st
                off = bitbase + g * 16
                lov = lax.convert_element_type(bv[pl.ds(off, 16)], jnp.int32)
                hiv = lax.convert_element_type(bv[pl.ds(off + NW, 16)],
                                               jnp.int32)
                w = jnp.bitwise_or(lov, jnp.left_shift(hiv, 16))
                v = w - (lax.shift_right_logical(w, 1) & 0x55555555)
                v = (v & 0x33333333) + (lax.shift_right_logical(v, 2)
                                        & 0x33333333)
                v = (v + lax.shift_right_logical(v, 4)) & 0x0F0F0F0F
                v = v + lax.shift_right_logical(v, 8)
                pc = (v + lax.shift_right_logical(v, 16)) & 0x3F
                csum = plsc.cumsum(pc)
                o = cnt + (csum - pc)
                nbase = (g * 16 + lane) * 32

                def ext_cond(st2):
                    return jnp.any(st2[0] != 0)

                def ext_body(st2):
                    ww, ext = st2
                    m = ww & (-ww)
                    f = lax.convert_element_type(m, jnp.float32)
                    e = (lax.shift_right_logical(
                        plsc.bitcast(f, jnp.int32), 23) & 0xFF) - 127
                    nz = ww != 0
                    pos = o + ext
                    plsc.store_scatter(idxb, [rowbase + pos], nbase + e,
                                       mask=jnp.logical_and(nz, pos < K))
                    return ww & (ww - 1), ext + nz.astype(jnp.int32)

                lax.while_loop(ext_cond, ext_body,
                               (w, jnp.zeros((16,), jnp.int32)))
                return g + 1, cnt + jnp.sum(pc)

            _, cnt = lax.while_loop(grp_cond, grp_body,
                                    (jnp.int32(0), jnp.int32(0)))
            f0 = plsc.load_gather(idxb, [jnp.zeros((16,), jnp.int32)
                                         + rowbase])
            for q in range(K // 16):
                sl = q * 16 + lane
                plsc.store_scatter(idxb, [rowbase + sl], f0, mask=sl >= cnt)
            return 0

        lax.fori_loop(0, SH, row_body, 0)
        pltpu.sync_copy(idxb, oi_h.at[pl.ds(row0 * K, NPT)])

    return k(bitsl).reshape(B, R)


def _mlp1_body(K, w1_ref, b1_ref, w2_ref, b2_ref, w3_ref, b3_ref,
               g_ref, out_ref):
    x4 = g_ref[0]
    h = jnp.dot(x4, w1_ref[...], preferred_element_type=jnp.float32) + b1_ref[...]
    h = jnp.maximum(h, 0.0)
    h = jnp.dot(h, w2_ref[...], preferred_element_type=jnp.float32) + b2_ref[...]
    h = jnp.maximum(h, 0.0)
    h = jnp.dot(h, w3_ref[...], preferred_element_type=jnp.float32) + b3_ref[...]
    h = jnp.maximum(h, 0.0)
    R, C = h.shape
    out_ref[0] = jnp.max(h.reshape(R // K, K, C), axis=1)


def _mlp1(g, K, w1, b1, w2, b2, w3, b3):
    B, R, _ = g.shape
    S = R // K
    C = w3.shape[1]
    wspec = lambda s: pl.BlockSpec(s, lambda b: tuple(0 for _ in s))
    return pl.pallas_call(
        functools.partial(_mlp1_body, K),
        grid=(B,),
        in_specs=[wspec(w1.shape), wspec(b1.shape), wspec(w2.shape),
                  wspec(b2.shape), wspec(w3.shape), wspec(b3.shape),
                  pl.BlockSpec((1, R, 4), lambda b: (b, 0, 0))],
        out_specs=pl.BlockSpec((1, S, C), lambda b: (b, 0, 0)),
        out_shape=jax.ShapeDtypeStruct((B, S, C), jnp.float32),
    )(w1, b1, w2, b2, w3, b3, g)


def _mlp2_body(K, SB_S, w1x_ref, w1f_ref, b1_ref, w2_ref, b2_ref,
               w3_ref, b3_ref, idx_ref, xyz_ref, f_ref, c_ref, out_ref):
    ids = idx_ref[0]
    xyzt = xyz_ref[0]
    feats = f_ref[0]
    N = xyzt.shape[0]
    R = ids.shape[0]
    onehot = (lax.broadcasted_iota(jnp.int32, (R, N), 1) == ids
              ).astype(jnp.float32)
    gx = jnp.dot(onehot, xyzt, preferred_element_type=jnp.float32)
    gf = jnp.dot(onehot, feats, preferred_element_type=jnp.float32)
    cc = c_ref[0]
    crep = jnp.broadcast_to(cc[:, None, :], (SB_S, K, 4)).reshape(R, 4)
    dxyz = gx - crep
    h = (jnp.dot(dxyz, w1x_ref[...], preferred_element_type=jnp.float32)
         + jnp.dot(gf, w1f_ref[...], preferred_element_type=jnp.float32)
         + b1_ref[...])
    h = jnp.maximum(h, 0.0)
    h = jnp.dot(h, w2_ref[...], preferred_element_type=jnp.float32) + b2_ref[...]
    h = jnp.maximum(h, 0.0)
    h = jnp.dot(h, w3_ref[...], preferred_element_type=jnp.float32) + b3_ref[...]
    h = jnp.maximum(h, 0.0)
    C = h.shape[1]
    out_ref[0] = jnp.max(h.reshape(SB_S, K, C), axis=1)


def _mlp2(idxf, xyzr, featsr, cr, K, w1x, w1f, b1, w2, b2, w3, b3):
    B, R = idxf.shape
    S = R // K
    N = xyzr.shape[1]
    Cf = featsr.shape[2]
    C = w3.shape[1]
    SB = 4
    SB_S = S // SB
    RB = SB_S * K
    idxr = idxf.reshape(B, R, 1)
    wspec = lambda s: pl.BlockSpec(s, lambda b, sb: tuple(0 for _ in s))
    return pl.pallas_call(
        functools.partial(_mlp2_body, K, SB_S),
        grid=(B, SB),
        in_specs=[wspec(w1x.shape), wspec(w1f.shape), wspec(b1.shape),
                  wspec(w2.shape), wspec(b2.shape), wspec(w3.shape),
                  wspec(b3.shape),
                  pl.BlockSpec((1, RB, 1), lambda b, sb: (b, sb, 0)),
                  pl.BlockSpec((1, N, 4), lambda b, sb: (b, 0, 0)),
                  pl.BlockSpec((1, N, Cf), lambda b, sb: (b, 0, 0)),
                  pl.BlockSpec((1, SB_S, 4), lambda b, sb: (b, sb, 0))],
        out_specs=pl.BlockSpec((1, SB_S, C), lambda b, sb: (b, sb, 0)),
        out_shape=jax.ShapeDtypeStruct((B, S, C), jnp.float32),
    )(w1x, w1f, b1, w2, b2, w3, b3, idxr, xyzr, featsr, cr)


def _sa3_body(w1x_ref, w1f_ref, b1_ref, w2_ref, b2_ref, w3_ref, b3_ref,
              f1w_ref, f1b_ref, f2w_ref, f2b_ref,
              xyz_ref, f_ref, l3_ref, x_ref):
    xyzp = xyz_ref[0]
    f = f_ref[0]
    h = (jnp.dot(xyzp, w1x_ref[...], preferred_element_type=jnp.float32)
         + jnp.dot(f, w1f_ref[...], preferred_element_type=jnp.float32)
         + b1_ref[...])
    h = jnp.maximum(h, 0.0)
    h = jnp.dot(h, w2_ref[...], preferred_element_type=jnp.float32) + b2_ref[...]
    h = jnp.maximum(h, 0.0)
    h = jnp.dot(h, w3_ref[...], preferred_element_type=jnp.float32) + b3_ref[...]
    h = jnp.maximum(h, 0.0)
    l3 = jnp.max(h, axis=0, keepdims=True)
    l3_ref[0] = l3
    y = jnp.dot(l3, f1w_ref[...], preferred_element_type=jnp.float32) + f1b_ref[...]
    y = jnp.maximum(y, 0.0)
    y = jnp.dot(y, f2w_ref[...], preferred_element_type=jnp.float32) + f2b_ref[...]
    y = jnp.maximum(y, 0.0)
    x_ref[0] = y


def _sa3_head(xyzr, featsr, w1x, w1f, b1, w2, b2, w3, b3,
              f1w, f1b, f2w, f2b):
    B, S, Cf = featsr.shape
    wspec = lambda s: pl.BlockSpec(s, lambda b: tuple(0 for _ in s))
    return pl.pallas_call(
        _sa3_body,
        grid=(B,),
        in_specs=[wspec(w1x.shape), wspec(w1f.shape), wspec(b1.shape),
                  wspec(w2.shape), wspec(b2.shape), wspec(w3.shape),
                  wspec(b3.shape), wspec(f1w.shape), wspec(f1b.shape),
                  wspec(f2w.shape), wspec(f2b.shape),
                  pl.BlockSpec((1, S, 4), lambda b: (b, 0, 0)),
                  pl.BlockSpec((1, S, Cf), lambda b: (b, 0, 0))],
        out_specs=[pl.BlockSpec((1, 1, 1024), lambda b: (b, 0, 0)),
                   pl.BlockSpec((1, 1, 256), lambda b: (b, 0, 0))],
        out_shape=[jax.ShapeDtypeStruct((B, 1, 1024), jnp.float32),
                   jax.ShapeDtypeStruct((B, 1, 256), jnp.float32)],
    )(w1x, w1f, b1, w2, b2, w3, b3, f1w, f1b, f2w, f2b, xyzr, featsr)


def _fold(p):
    s = p['g'] / jnp.sqrt(p['rv'] + _EPS)
    w = p['W'] * s[None, :]
    b = ((p['b'] - p['rm']) * s + p['be'])[None, :]
    return w, b


def _pad4(w3):
    return jnp.concatenate([w3, jnp.zeros((1, w3.shape[1]), w3.dtype)], axis=0)


def kernel(xyz, params):
    B, _, N = xyz.shape
    sa1 = [_fold(p) for p in params['sa1']]
    sa2 = [_fold(p) for p in params['sa2']]
    sa3 = [_fold(p) for p in params['sa3']]

    def _fold_fc(fc, bn):
        s = bn['g'] / jnp.sqrt(bn['rv'] + _EPS)
        w = fc['W'] * s[None, :]
        b = ((fc['b'] - bn['rm']) * s + bn['be'])[None, :]
        return w, b

    f1w, f1b = _fold_fc(params['fc1'], params['bn1'])
    f2w, f2b = _fold_fc(params['fc2'], params['bn2'])

    c1 = _fps(xyz, 512)
    c1t = jnp.transpose(c1, (0, 2, 1))
    bits1 = _bqbits(0.2, xyz, c1t)
    g1 = _sc_ballgather(xyz, c1, bits1, 32)
    l1 = _mlp1(g1, 32,
               _pad4(sa1[0][0]), sa1[0][1], sa1[1][0], sa1[1][1],
               sa1[2][0], sa1[2][1])

    c2 = _fps(c1, 128)
    c2t = jnp.transpose(c2, (0, 2, 1))
    bits2 = _bqbits(0.4, c1, c2t)
    idx2 = _sc_ballidx(bits2, 64)
    c1t4 = jnp.concatenate(
        [c1t, jnp.zeros((B, c1t.shape[1], 1), jnp.float32)], axis=2)
    c2t4 = jnp.concatenate(
        [c2t, jnp.zeros((B, c2t.shape[1], 1), jnp.float32)], axis=2)
    w1 = sa2[0][0]
    l2 = _mlp2(idx2, c1t4, l1, c2t4, 64,
               _pad4(w1[:3]), w1[3:], sa2[0][1],
               sa2[1][0], sa2[1][1], sa2[2][0], sa2[2][1])

    w1g = sa3[0][0]
    l3, x = _sa3_head(c2t4, l2,
                      _pad4(w1g[:3]), w1g[3:], sa3[0][1],
                      sa3[1][0], sa3[1][1], sa3[2][0], sa3[2][1],
                      f1w, f1b, f2w, f2b)
    return x.reshape(B, 256), l3.reshape(B, 1024, 1)

# --- scband reference (transcript-rebuilt; emitter-appended) ---
"""Pipeline reference for scband-pointnetplus-2061584302575 (READ-ONLY COPY).

The authoritative reference and input builder live on the scoring server;
editing this copy changes nothing except your own understanding.
"""

import jax, jax.numpy as jnp
import numpy as np

EPS = 1e-5

def square_distance(src, dst):
    dist = -2.0 * jnp.einsum('bnc,bmc->bnm', src, dst)
    dist = dist + jnp.sum(src ** 2, -1)[:, :, None]
    dist = dist + jnp.sum(dst ** 2, -1)[:, None, :]
    return dist

def index_points(points, idx):
    B = points.shape[0]
    batch = jnp.arange(B).reshape((B,) + (1,) * (idx.ndim - 1))
    return points[batch, idx]

def farthest_point_sample(xyz, npoint):
    xyz = jax.lax.stop_gradient(xyz)
    B, N, _ = xyz.shape
    def body(i, state):
        centroids, distance, farthest = state
        centroids = centroids.at[:, i].set(farthest)
        centroid = jnp.take_along_axis(xyz, farthest[:, None, None], axis=1)
        dist = jnp.sum((xyz - centroid) ** 2, -1)
        distance = jnp.minimum(distance, dist)
        farthest = jnp.argmax(distance, axis=-1).astype(jnp.int32)
        return (centroids, distance, farthest)
    init = (jnp.zeros((B, npoint), jnp.int32),
            jnp.full((B, N), 1e10, jnp.float32),
            jnp.zeros((B,), jnp.int32))
    centroids, _, _ = jax.lax.fori_loop(0, npoint, body, init)
    return centroids

def query_ball_point(radius, nsample, xyz, new_xyz):
    B, N, _ = xyz.shape
    S = new_xyz.shape[1]
    sqrdists = square_distance(jax.lax.stop_gradient(new_xyz), jax.lax.stop_gradient(xyz))
    group_idx = jnp.broadcast_to(jnp.arange(N, dtype=jnp.int32), (B, S, N))
    group_idx = jnp.where(sqrdists > radius ** 2, N, group_idx)
    group_idx = jnp.sort(group_idx, axis=-1)[:, :, :nsample]
    group_first = jnp.broadcast_to(group_idx[:, :, :1], (B, S, nsample))
    group_idx = jnp.where(group_idx == N, group_first, group_idx)
    return group_idx

def conv_bn_relu(x, p):
    x = jnp.matmul(x, p['W']) + p['b']
    x = (x - p['rm']) / jnp.sqrt(p['rv'] + EPS) * p['g'] + p['be']
    return jax.nn.relu(x)

def set_abstraction(xyz, points, npoint, radius, nsample, mlp_params, group_all):
    B = xyz.shape[0]
    if group_all:
        new_xyz = jnp.zeros((B, 1, 3), jnp.float32)
        grouped = xyz[:, None, :, :]
        if points is not None:
            new_points = jnp.concatenate([grouped, points[:, None, :, :]], axis=-1)
        else:
            new_points = grouped
    else:
        fps_idx = farthest_point_sample(xyz, npoint)
        new_xyz = index_points(xyz, fps_idx)
        idx = query_ball_point(radius, nsample, xyz, new_xyz)
        grouped = index_points(xyz, idx) - new_xyz[:, :, None, :]
        if points is not None:
            new_points = jnp.concatenate([grouped, index_points(points, idx)], axis=-1)
        else:
            new_points = grouped
    for p in mlp_params:
        new_points = conv_bn_relu(new_points, p)
    new_points = jnp.max(new_points, axis=2)
    return new_xyz, new_points

def bn1d(x, p):
    return (x - p['rm']) / jnp.sqrt(p['rv'] + EPS) * p['g'] + p['be']

def setup_inputs(seed: int = 0):
    key = jax.random.key(seed)
    ks = jax.random.split(key, 16)
    it = iter(range(16))
    def conv_p(cin, cout):
        k = ks[next(it)]
        return {'W': (jax.random.normal(k, (cin, cout), jnp.float32) / np.sqrt(cin).astype(np.float32)),
                'b': jnp.zeros((cout,), jnp.float32),
                'g': jnp.ones((cout,), jnp.float32),
                'be': jnp.zeros((cout,), jnp.float32),
                'rm': jnp.zeros((cout,), jnp.float32),
                'rv': jnp.ones((cout,), jnp.float32)}
    params = {
        'sa1': [conv_p(3, 64), conv_p(64, 64), conv_p(64, 128)],
        'sa2': [conv_p(131, 128), conv_p(128, 128), conv_p(128, 256)],
        'sa3': [conv_p(259, 256), conv_p(256, 512), conv_p(512, 1024)],
        'fc1': {'W': jax.random.normal(ks[next(it)], (1024, 512), jnp.float32) / np.sqrt(1024).astype(np.float32),
                'b': jnp.zeros((512,), jnp.float32)},
        'bn1': {'g': jnp.ones((512,), jnp.float32), 'be': jnp.zeros((512,), jnp.float32),
                'rm': jnp.zeros((512,), jnp.float32), 'rv': jnp.ones((512,), jnp.float32)},
        'fc2': {'W': jax.random.normal(ks[next(it)], (512, 256), jnp.float32) / np.sqrt(512).astype(np.float32),
                'b': jnp.zeros((256,), jnp.float32)},
        'bn2': {'g': jnp.ones((256,), jnp.float32), 'be': jnp.zeros((256,), jnp.float32),
                'rm': jnp.zeros((256,), jnp.float32), 'rv': jnp.ones((256,), jnp.float32)},
    }
    xyz = jax.random.uniform(ks[next(it)], (16, 3, 2048), jnp.float32)
    return {'xyz': xyz, 'params': params}

def pointnet_forward(xyz, params):
    B = xyz.shape[0]
    pts = jnp.transpose(xyz, (0, 2, 1))
    l1_xyz, l1_points = set_abstraction(pts, None, 512, 0.2, 32, params['sa1'], False)
    l2_xyz, l2_points = set_abstraction(l1_xyz, l1_points, 128, 0.4, 64, params['sa2'], False)
    l3_xyz, l3_points = set_abstraction(l2_xyz, l2_points, None, None, None, params['sa3'], True)
    x = l3_points.reshape(B, 1024)
    x = jax.nn.relu(bn1d(jnp.matmul(x, params['fc1']['W']) + params['fc1']['b'], params['bn1']))
    x = jax.nn.relu(bn1d(jnp.matmul(x, params['fc2']['W']) + params['fc2']['b'], params['bn2']))
    return x, jnp.transpose(l3_points, (0, 2, 1))

def reference(xyz, params):
    return pointnet_forward(xyz, params)

if __name__ == "__main__":
    import jax
    _d = setup_inputs()
    print(jax.jit(kernel)(*tuple(_d.values())))

</pallas_src>

<mosaic_0001>
#map = affine_map<(d0, d1) -> (0)>
module attributes {stable_mosaic.version = 14 : i64} {
  func.func @k(%arg0: i32, %arg1: i32, %arg2: memref<65536xf32, #tpu.memory_space<hbm>>, %arg3: memref<131072xi32, #tpu.memory_space<hbm>>, %arg4: memref<2048xf32, #tpu.memory_space<vmem>>, %arg5: memref<4096xi32, #tpu.memory_space<vmem>>) attributes {dimension_semantics = [#tpu.dimension_semantics<core_parallel>, #tpu.dimension_semantics<subcore_parallel>], iteration_bounds = array<i64: 2, 16>, scalar_prefetch = 0 : i64, scratch_operands = 2 : i64, tpu.core_type = #tpu.core_type<sc_vector_subcore>, window_params = [{transform_indices = #map}, {transform_indices = #map}]} {
    %mul3A = arith.constant 2 : i32
    %mul3A_0 = arith.muli %arg1, %mul3A : i32
    %add3A = arith.addi %mul3A_0, %arg0 : i32
    %mul3A_1 = arith.constant 64 : i32
    %mul3A_2 = arith.muli %add3A, %mul3A_1 : i32
    %mul3A_3 = arith.constant 32 : i32
    %mul3A_4 = arith.muli %mul3A_2, %mul3A_3 : i32
    "tpu.region"() ({
      %run_scoped3A = tpu.sem_alloc : memref<!tpu.dma_semaphore, #tpu.memory_space<semaphore_mem>>
      %dma_start3A = tpu.memref_slice %arg2[%mul3A_4] : memref<65536xf32, #tpu.memory_space<hbm>> -> memref<2048xf32, #tpu.memory_space<hbm>>
      %dma_start3A_13 = tpu.memref_slice %arg2[%mul3A_4] : memref<65536xf32, #tpu.memory_space<hbm>> -> memref<2048xf32, #tpu.memory_space<hbm>>
      tpu.enqueue_dma source(%dma_start3A_13 : memref<2048xf32, #tpu.memory_space<hbm>>) target(%arg4 : memref<2048xf32, #tpu.memory_space<vmem>>) target_semaphore(%run_scoped3A : memref<!tpu.dma_semaphore, #tpu.memory_space<semaphore_mem>>)
      %dma_wait3A = tpu.memref_slice %arg2[%mul3A_4] : memref<65536xf32, #tpu.memory_space<hbm>> -> memref<2048xf32, #tpu.memory_space<hbm>>
      %dma_wait3A_14 = tpu.memref_slice %arg2[%mul3A_4] : memref<65536xf32, #tpu.memory_space<hbm>> -> memref<2048xf32, #tpu.memory_space<hbm>>
      tpu.wait_dma2 semaphore(%run_scoped3A : memref<!tpu.dma_semaphore, #tpu.memory_space<semaphore_mem>>) src(%dma_wait3A_14 : memref<2048xf32, #tpu.memory_space<hbm>>) dst(%arg4 : memref<2048xf32, #tpu.memory_space<vmem>>)
      tpu.yield
    }) : () -> ()
    %iota3A = tpu.iota {dimensions = array<i32: 0>} : vector<16xi32>
    %scan3A = arith.constant 0 : i32
    %scan3A_5 = arith.constant 0 : i32
    %scan3A_6 = arith.constant 64 : i32
    %scan3A_7 = arith.addi %scan3A_5, %scan3A_6 : i32
    %scan3A_8 = arith.constant 1 : i32
    %scan3A_9 = scf.for %scan3A_13 = %scan3A_5 to %scan3A_7 step %scan3A_8 iter_args(%scan3A_14 = %scan3A) -> (i32)  : i32 {
      %mul3A_15 = arith.constant 64 : i32
      %mul3A_16 = arith.muli %scan3A_13, %mul3A_15 : i32
      %mul3A_17 = arith.constant 32 : i32
      %mul3A_18 = arith.muli %scan3A_13, %mul3A_17 : i32
      %while3A = arith.constant 0 : i32
      %while3A_19 = arith.constant 0 : i32
      %while3A_20:2 = scf.while (%while3A_52 = %while3A, %while3A_53 = %while3A_19) : (i32, i32) -> (i32, i32) {
        %lt3A = arith.constant 1 : i32
        %lt3A_54 = arith.cmpi slt, %while3A_52, %lt3A : i32
        %lt3A_55 = arith.constant 64 : i32
        %lt3A_56 = arith.cmpi slt, %while3A_53, %lt3A_55 : i32
        %and3A = arith.andi %lt3A_54, %lt3A_56 : i1
        scf.condition(%and3A) %while3A_52, %while3A_53 : i32, i32
      } do {
      ^bb0(%while3A_52: i32, %while3A_53: i32):
        %mul3A_54 = arith.constant 16 : i32
        %mul3A_55 = arith.muli %while3A_52, %mul3A_54 : i32
        %add3A_56 = arith.addi %mul3A_18, %mul3A_55 : i32
        %get3A = arith.index_cast %add3A_56 : i32 to index
        %get3A_57 = tpu.vector_load %arg4[%get3A] {strides = array<i32>} : memref<2048xf32, #tpu.memory_space<vmem>>, vector<16xf32>,
        %convert_element_type3A = arith.fptosi %get3A_57 : vector<16xf32> to vector<16xi32>
        %add3A_58 = arith.constant 16 : i32
        %add3A_59 = arith.addi %add3A_56, %add3A_58 : i32
        %get3A_60 = arith.index_cast %add3A_59 : i32 to index
        %get3A_61 = tpu.vector_load %arg4[%get3A_60] {strides = array<i32>} : memref<2048xf32, #tpu.memory_space<vmem>>, vector<16xf32>,
        %convert_element_type3A_62 = arith.fptosi %get3A_61 : vector<16xf32> to vector<16xi32>
        %shift_left3A = arith.constant 16 : i32
        %shift_left3A_63 = vector.broadcast %shift_left3A : i32 to vector<16xi32>
        %shift_left3A_64 = arith.shli %convert_element_type3A_62, %shift_left3A_63 : vector<16xi32>
        %or3A = arith.ori %convert_element_type3A, %shift_left3A_64 : vector<16xi32>
        %shift_right_logical3A = arith.constant 1 : i32
        %shift_right_logical3A_65 = vector.broadcast %shift_right_logical3A : i32 to vector<16xi32>
        %shift_right_logical3A_66 = arith.shrui %or3A, %shift_right_logical3A_65 : vector<16xi32>
        %and3A = arith.constant 1431655765 : i32
        %and3A_67 = vector.broadcast %and3A : i32 to vector<16xi32>
        %and3A_68 = arith.andi %shift_right_logical3A_66, %and3A_67 : vector<16xi32>
        %sub3A = arith.subi %or3A, %and3A_68 : vector<16xi32>
        %and3A_69 = arith.constant 858993459 : i32
        %and3A_70 = vector.broadcast %and3A_69 : i32 to vector<16xi32>
        %and3A_71 = arith.andi %sub3A, %and3A_70 : vector<16xi32>
        %shift_right_logical3A_72 = arith.constant 2 : i32
        %shift_right_logical3A_73 = vector.broadcast %shift_right_logical3A_72 : i32 to vector<16xi32>
        %shift_right_logical3A_74 = arith.shrui %sub3A, %shift_right_logical3A_73 : vector<16xi32>
        %and3A_75 = arith.constant 858993459 : i32
        %and3A_76 = vector.broadcast %and3A_75 : i32 to vector<16xi32>
        %and3A_77 = arith.andi %shift_right_logical3A_74, %and3A_76 : vector<16xi32>
        %add3A_78 = arith.addi %and3A_71, %and3A_77 : vector<16xi32>
        %shift_right_logical3A_79 = arith.constant 4 : i32
        %shift_right_logical3A_80 = vector.broadcast %shift_right_logical3A_79 : i32 to vector<16xi32>
        %shift_right_logical3A_81 = arith.shrui %add3A_78, %shift_right_logical3A_80 : vector<16xi32>
        %add3A_82 = arith.addi %add3A_78, %shift_right_logical3A_81 : vector<16xi32>
        %and3A_83 = arith.constant 252645135 : i32
        %and3A_84 = vector.broadcast %and3A_83 : i32 to vector<16xi32>
        %and3A_85 = arith.andi %add3A_82, %and3A_84 : vector<16xi32>
        %shift_right_logical3A_86 = arith.constant 8 : i32
        %shift_right_logical3A_87 = vector.broadcast %shift_right_logical3A_86 : i32 to vector<16xi32>
        %shift_right_logical3A_88 = arith.shrui %and3A_85, %shift_right_logical3A_87 : vector<16xi32>
        %add3A_89 = arith.addi %and3A_85, %shift_right_logical3A_88 : vector<16xi32>
        %shift_right_logical3A_90 = arith.constant 16 : i32
        %shift_right_logical3A_91 = vector.broadcast %shift_right_logical3A_90 : i32 to vector<16xi32>
        %shift_right_logical3A_92 = arith.shrui %add3A_89, %shift_right_logical3A_91 : vector<16xi32>
        %add3A_93 = arith.addi %add3A_89, %shift_right_logical3A_92 : vector<16xi32>
        %and3A_94 = arith.constant 63 : i32
        %and3A_95 = vector.broadcast %and3A_94 : i32 to vector<16xi32>
        %and3A_96 = arith.andi %add3A_93, %and3A_95 : vector<16xi32>
        %broadcast_in_dim3A_97 = arith.constant true
        %broadcast_in_dim3A_98 = vector.broadcast %broadcast_in_dim3A_97 : i1 to vector<16xi1>
        %masked_cumsum3A = tpu.scan <sum>, %and3A_96 masked %broadcast_in_dim3A_98 : vector<16xi32>, vector<16xi1> -> vector<16xi32>
        %sub3A_99 = arith.subi %masked_cumsum3A, %and3A_96 : vector<16xi32>
        %add3A_100 = vector.broadcast %while3A_53 : i32 to vector<16xi32>
        %add3A_101 = arith.addi %add3A_100, %sub3A_99 : vector<16xi32>
        %mul3A_102 = arith.constant 16 : i32
        %mul3A_103 = arith.muli %while3A_52, %mul3A_102 : i32
        %add3A_104 = vector.broadcast %mul3A_103 : i32 to vector<16xi32>
        %add3A_105 = arith.addi %add3A_104, %iota3A : vector<16xi32>
        %mul3A_106 = arith.constant 32 : i32
        %mul3A_107 = vector.broadcast %mul3A_106 : i32 to vector<16xi32>
        %mul3A_108 = arith.muli %add3A_105, %mul3A_107 : vector<16xi32>
        %broadcast_in_dim3A_109 = arith.constant 0 : i32
        %broadcast_in_dim3A_110 = vector.broadcast %broadcast_in_dim3A_109 : i32 to vector<16xi32>
        %while3A_111:2 = scf.while (%while3A_118 = %or3A, %while3A_119 = %broadcast_in_dim3A_110) : (vector<16xi32>, vector<16xi32>) -> (vector<16xi32>, vector<16xi32>) {
          %ne3A = arith.constant 0 : i32
          %ne3A_120 = vector.broadcast %ne3A : i32 to vector<16xi32>
          %ne3A_121 = arith.cmpi ne, %while3A_118, %ne3A_120 : vector<16xi32>
          %reduce_or3A = arith.constant 1.000000e+00 : f32
          %reduce_or3A_122 = arith.constant 0.000000e+00 : f32
          %reduce_or3A_123 = vector.broadcast %reduce_or3A : f32 to vector<16xf32>
          %reduce_or3A_124 = vector.broadcast %reduce_or3A_122 : f32 to vector<16xf32>
          %reduce_or3A_125 = arith.select %ne3A_121, %reduce_or3A_123, %reduce_or3A_124 : vector<16xi1>, vector<16xf32>
          %reduce_or3A_126 = arith.constant true
          %reduce_or3A_127 = vector.broadcast %reduce_or3A_126 : i1 to vector<16xi1>
          %reduce_or3A_128 = tpu.scan <max>, %reduce_or3A_125 masked %reduce_or3A_127 : vector<16xf32>, vector<16xi1> -> vector<16xf32>
          %reduce_or3A_129 = vector.extract %reduce_or3A_128[15] : f32 from vector<16xf32>
          %reduce_or3A_130 = arith.constant 0.000000e+00 : f32
          %reduce_or3A_131 = arith.cmpf ogt, %reduce_or3A_129, %reduce_or3A_130 : f32
          scf.condition(%reduce_or3A_131) %while3A_118, %while3A_119 : vector<16xi32>, vector<16xi32>
        } do {
        ^bb0(%while3A_118: vector<16xi32>, %while3A_119: vector<16xi32>):
          %neg3A = arith.constant 0 : i32
          %neg3A_120 = vector.broadcast %neg3A : i32 to vector<16xi32>
          %neg3A_121 = arith.subi %neg3A_120, %while3A_118 : vector<16xi32>
          %and3A_122 = arith.andi %while3A_118, %neg3A_121 : vector<16xi32>
          %convert_element_type3A_123 = arith.sitofp %and3A_122 : vector<16xi32> to vector<16xf32>
          %bitcast3A = vector.bitcast %convert_element_type3A_123 : vector<16xf32> to vector<16xi32>
          %shift_right_logical3A_124 = arith.constant 23 : i32
          %shift_right_logical3A_125 = vector.broadcast %shift_right_logical3A_124 : i32 to vector<16xi32>
          %shift_right_logical3A_126 = arith.shrui %bitcast3A, %shift_right_logical3A_125 : vector<16xi32>
          %and3A_127 = arith.constant 255 : i32
          %and3A_128 = vector.broadcast %and3A_127 : i32 to vector<16xi32>
          %and3A_129 = arith.andi %shift_right_logical3A_126, %and3A_128 : vector<16xi32>
          %sub3A_130 = arith.constant 127 : i32
          %sub3A_131 = vector.broadcast %sub3A_130 : i32 to vector<16xi32>
          %sub3A_132 = arith.subi %and3A_129, %sub3A_131 : vector<16xi32>
          %ne3A = arith.constant 0 : i32
          %ne3A_133 = vector.broadcast %ne3A : i32 to vector<16xi32>
          %ne3A_134 = arith.cmpi ne, %while3A_118, %ne3A_133 : vector<16xi32>
          %add3A_135 = arith.addi %add3A_101, %while3A_119 : vector<16xi32>
          %add3A_136 = vector.broadcast %mul3A_16 : i32 to vector<16xi32>
          %add3A_137 = arith.addi %add3A_136, %add3A_135 : vector<16xi32>
          %add3A_138 = arith.addi %mul3A_108, %sub3A_132 : vector<16xi32>
          %lt3A = arith.constant 64 : i32
          %lt3A_139 = vector.broadcast %lt3A : i32 to vector<16xi32>
          %lt3A_140 = arith.cmpi slt, %add3A_135, %lt3A_139 : vector<16xi32>
          %and3A_141 = arith.andi %ne3A_134, %lt3A_140 : vector<16xi1>
          tpu.vector_store_idx %arg5[%add3A_137], %add3A_138 masked %and3A_141 : memref<4096xi32, #tpu.memory_space<vmem>>[vector<16xi32>], vector<16xi32>, vector<16xi1>
          %sub3A_142 = arith.constant 1 : i32
          %sub3A_143 = vector.broadcast %sub3A_142 : i32 to vector<16xi32>
          %sub3A_144 = arith.subi %while3A_118, %sub3A_143 : vector<16xi32>
          %and3A_145 = arith.andi %while3A_118, %sub3A_144 : vector<16xi32>
          %convert_element_type3A_146 = arith.extui %ne3A_134 : vector<16xi1> to vector<16xi32>
          %add3A_147 = arith.addi %while3A_119, %convert_element_type3A_146 : vector<16xi32>
          scf.yield %and3A_145, %add3A_147 : vector<16xi32>, vector<16xi32>
        }
        %add3A_112 = arith.constant 1 : i32
        %add3A_113 = arith.addi %while3A_52, %add3A_112 : i32
        %reduce_sum3A = arith.constant true
        %reduce_sum3A_114 = vector.broadcast %reduce_sum3A : i1 to vector<16xi1>
        %reduce_sum3A_115 = tpu.scan <sum>, %and3A_96 masked %reduce_sum3A_114 : vector<16xi32>, vector<16xi1> -> vector<16xi32>
        %reduce_sum3A_116 = vector.extract %reduce_sum3A_115[15] : i32 from vector<16xi32>
        %add3A_117 = arith.addi %while3A_53, %reduce_sum3A_116 : i32
        scf.yield %add3A_113, %add3A_117 : i32, i32
      }
      %broadcast_in_dim3A = arith.constant 0 : i32
      %broadcast_in_dim3A_21 = vector.broadcast %broadcast_in_dim3A : i32 to vector<16xi32>
      %add3A_22 = vector.broadcast %mul3A_16 : i32 to vector<16xi32>
      %add3A_23 = arith.addi %broadcast_in_dim3A_21, %add3A_22 : vector<16xi32>
      %gather3A = tpu.vector_load_idx %arg5[%add3A_23] : memref<4096xi32, #tpu.memory_space<vmem>>[vector<16xi32>], vector<16xi32>,
      %add3A_24 = arith.constant 0 : i32
      %add3A_25 = vector.broadcast %add3A_24 : i32 to vector<16xi32>
      %add3A_26 = arith.addi %add3A_25, %iota3A : vector<16xi32>
      %add3A_27 = vector.broadcast %mul3A_16 : i32 to vector<16xi32>
      %add3A_28 = arith.addi %add3A_27, %add3A_26 : vector<16xi32>
      %ge3A = vector.broadcast %while3A_20#1 : i32 to vector<16xi32>
      %ge3A_29 = arith.cmpi sge, %add3A_26, %ge3A : vector<16xi32>
      tpu.vector_store_idx %arg5[%add3A_28], %gather3A masked %ge3A_29 : memref<4096xi32, #tpu.memory_space<vmem>>[vector<16xi32>], vector<16xi32>, vector<16xi1>
      %add3A_30 = arith.constant 16 : i32
      %add3A_31 = vector.broadcast %add3A_30 : i32 to vector<16xi32>
      %add3A_32 = arith.addi %add3A_31, %iota3A : vector<16xi32>
      %add3A_33 = vector.broadcast %mul3A_16 : i32 to vector<16xi32>
      %add3A_34 = arith.addi %add3A_33, %add3A_32 : vector<16xi32>
      %ge3A_35 = vector.broadcast %while3A_20#1 : i32 to vector<16xi32>
      %ge3A_36 = arith.cmpi sge, %add3A_32, %ge3A_35 : vector<16xi32>
      tpu.vector_store_idx %arg5[%add3A_34], %gather3A masked %ge3A_36 : memref<4096xi32, #tpu.memory_space<vmem>>[vector<16xi32>], vector<16xi32>, vector<16xi1>
      %add3A_37 = arith.constant 32 : i32
      %add3A_38 = vector.broadcast %add3A_37 : i32 to vector<16xi32>
      %add3A_39 = arith.addi %add3A_38, %iota3A : vector<16xi32>
      %add3A_40 = vector.broadcast %mul3A_16 : i32 to vector<16xi32>
      %add3A_41 = arith.addi %add3A_40, %add3A_39 : vector<16xi32>
      %ge3A_42 = vector.broadcast %while3A_20#1 : i32 to vector<16xi32>
      %ge3A_43 = arith.cmpi sge, %add3A_39, %ge3A_42 : vector<16xi32>
      tpu.vector_store_idx %arg5[%add3A_41], %gather3A masked %ge3A_43 : memref<4096xi32, #tpu.memory_space<vmem>>[vector<16xi32>], vector<16xi32>, vector<16xi1>
      %add3A_44 = arith.constant 48 : i32
      %add3A_45 = vector.broadcast %add3A_44 : i32 to vector<16xi32>
      %add3A_46 = arith.addi %add3A_45, %iota3A : vector<16xi32>
      %add3A_47 = vector.broadcast %mul3A_16 : i32 to vector<16xi32>
      %add3A_48 = arith.addi %add3A_47, %add3A_46 : vector<16xi32>
      %ge3A_49 = vector.broadcast %while3A_20#1 : i32 to vector<16xi32>
      %ge3A_50 = arith.cmpi sge, %add3A_46, %ge3A_49 : vector<16xi32>
      tpu.vector_store_idx %arg5[%add3A_48], %gather3A masked %ge3A_50 : memref<4096xi32, #tpu.memory_space<vmem>>[vector<16xi32>], vector<16xi32>, vector<16xi1>
      %scan3A_51 = arith.constant 0 : i32
      scf.yield %scan3A_51 : i32
    }
    %scan3A_10 = arith.constant 64 : i32
    %mul3A_11 = arith.constant 64 : i32
    %mul3A_12 = arith.muli %mul3A_2, %mul3A_11 : i32
    "tpu.region"() ({
      %run_scoped3A = tpu.sem_alloc : memref<!tpu.dma_semaphore, #tpu.memory_space<semaphore_mem>>
      %dma_start3A = tpu.memref_slice %arg3[%mul3A_12] : memref<131072xi32, #tpu.memory_space<hbm>> -> memref<4096xi32, #tpu.memory_space<hbm>>
      %dma_start3A_13 = tpu.memref_slice %arg3[%mul3A_12] : memref<131072xi32, #tpu.memory_space<hbm>> -> memref<4096xi32, #tpu.memory_space<hbm>>
      tpu.enqueue_dma source(%arg5 : memref<4096xi32, #tpu.memory_space<vmem>>) target(%dma_start3A_13 : memref<4096xi32, #tpu.memory_space<hbm>>) target_semaphore(%run_scoped3A : memref<!tpu.dma_semaphore, #tpu.memory_space<semaphore_mem>>)
      %dma_wait3A = tpu.memref_slice %arg3[%mul3A_12] : memref<131072xi32, #tpu.memory_space<hbm>> -> memref<4096xi32, #tpu.memory_space<hbm>>
      %dma_wait3A_14 = tpu.memref_slice %arg3[%mul3A_12] : memref<131072xi32, #tpu.memory_space<hbm>> -> memref<4096xi32, #tpu.memory_space<hbm>>
      tpu.wait_dma2 semaphore(%run_scoped3A : memref<!tpu.dma_semaphore, #tpu.memory_space<semaphore_mem>>) src(%arg5 : memref<4096xi32, #tpu.memory_space<vmem>>) dst(%dma_wait3A_14 : memref<4096xi32, #tpu.memory_space<hbm>>)
      tpu.yield
    }) : () -> ()
    return
  }
}

#map = affine_map<(d0, d1) -> (0)>
module attributes {stable_mosaic.version = 14 : i64} {
  func.func @k(%arg0: i32, %arg1: i32, %arg2: memref<32768xf32, #tpu.memory_space<hbm>>, %arg3: memref<32768xf32, #tpu.memory_space<hbm>>, %arg4: memref<32768xf32, #tpu.memory_space<hbm>>, %arg5: memref<8192xf32, #tpu.memory_space<hbm>>, %arg6: memref<8192xf32, #tpu.memory_space<hbm>>, %arg7: memref<8192xf32, #tpu.memory_space<hbm>>, %arg8: memref<1048576xf32, #tpu.memory_space<hbm>>, %arg9: memref<1048576xf32, #tpu.memory_space<hbm>>, %arg10: memref<2048xf32, #tpu.memory_space<vmem>>, %arg11: memref<2048xf32, #tpu.memory_space<vmem>>, %arg12: memref<2048xf32, #tpu.memory_space<vmem>>, %arg13: memref<256xf32, #tpu.memory_space<vmem>>, %arg14: memref<256xf32, #tpu.memory_space<vmem>>, %arg15: memref<256xf32, #tpu.memory_space<vmem>>, %arg16: memref<32768xf32, #tpu.memory_space<vmem>>, %arg17: memref<8192xi32, #tpu.memory_space<vmem>>, %arg18: memref<32768xf32, #tpu.memory_space<vmem>>) attributes {dimension_semantics = [#tpu.dimension_semantics<core_parallel>, #tpu.dimension_semantics<subcore_parallel>], iteration_bounds = array<i64: 2, 16>, scalar_prefetch = 0 : i64, scratch_operands = 9 : i64, tpu.core_type = #tpu.core_type<sc_vector_subcore>, window_params = [{transform_indices = #map}, {transform_indices = #map}, {transform_indices = #map}, {transform_indices = #map}, {transform_indices = #map}, {transform_indices = #map}, {transform_indices = #map}, {transform_indices = #map}]} {
    %mul3A = arith.constant 2 : i32
    %mul3A_0 = arith.muli %arg1, %mul3A : i32
    %add3A = arith.addi %mul3A_0, %arg0 : i32
    %jit3A = arith.constant 2 : i32
    %div3A = arith.divsi %add3A, %jit3A : i32
    %sign3A = arith.constant 0 : i32
    %sign3A_1 = arith.cmpi sgt, %add3A, %sign3A : i32
    %sign3A_2 = arith.extui %sign3A_1 : i1 to i32
    %sign3A_3 = arith.constant 0 : i32
    %sign3A_4 = arith.cmpi slt, %add3A, %sign3A_3 : i32
    %sign3A_5 = arith.extui %sign3A_4 : i1 to i32
    %sign3A_6 = arith.subi %sign3A_2, %sign3A_5 : i32
    %sign3A_7 = arith.constant 0 : i32
    %sign3A_8 = arith.cmpi sgt, %jit3A, %sign3A_7 : i32
    %sign3A_9 = arith.extui %sign3A_8 : i1 to i32
    %sign3A_10 = arith.constant 0 : i32
    %sign3A_11 = arith.cmpi slt, %jit3A, %sign3A_10 : i32
    %sign3A_12 = arith.extui %sign3A_11 : i1 to i32
    %sign3A_13 = arith.subi %sign3A_9, %sign3A_12 : i32
    %ne3A = arith.cmpi ne, %sign3A_6, %sign3A_13 : i32
    %rem3A = arith.remsi %add3A, %jit3A : i32
    %ne3A_14 = arith.constant 0 : i32
    %ne3A_15 = arith.cmpi ne, %rem3A, %ne3A_14 : i32
    %and3A = arith.andi %ne3A, %ne3A_15 : i1
    %sub3A = arith.constant 1 : i32
    %sub3A_16 = arith.subi %div3A, %sub3A : i32
    %select_n3A = arith.select %and3A, %sub3A_16, %div3A : i32
    %mul3A_17 = arith.constant 2 : i32
    %mul3A_18 = arith.muli %mul3A_17, %select_n3A : i32
    %sub3A_19 = arith.subi %add3A, %mul3A_18 : i32
    %mul3A_20 = arith.constant 256 : i32
    %mul3A_21 = arith.muli %sub3A_19, %mul3A_20 : i32
    %mul3A_22 = arith.constant 16384 : i32
    %mul3A_23 = arith.muli %select_n3A, %mul3A_22 : i32
    %mul3A_24 = arith.constant 32 : i32
    %mul3A_25 = arith.muli %mul3A_21, %mul3A_24 : i32
    %add3A_26 = arith.addi %mul3A_23, %mul3A_25 : i32
    %mul3A_27 = arith.constant 2048 : i32
    %mul3A_28 = arith.muli %select_n3A, %mul3A_27 : i32
    "tpu.region"() ({
      %run_scoped3A = tpu.sem_alloc : memref<!tpu.dma_semaphore, #tpu.memory_space<semaphore_mem>>
      %dma_start3A = tpu.memref_slice %arg2[%mul3A_28] : memref<32768xf32, #tpu.memory_space<hbm>> -> memref<2048xf32, #tpu.memory_space<hbm>>
      %dma_start3A_63 = tpu.memref_slice %arg2[%mul3A_28] : memref<32768xf32, #tpu.memory_space<hbm>> -> memref<2048xf32, #tpu.memory_space<hbm>>
      tpu.enqueue_dma source(%dma_start3A_63 : memref<2048xf32, #tpu.memory_space<hbm>>) target(%arg10 : memref<2048xf32, #tpu.memory_space<vmem>>) target_semaphore(%run_scoped3A : memref<!tpu.dma_semaphore, #tpu.memory_space<semaphore_mem>>)
      %dma_wait3A = tpu.memref_slice %arg2[%mul3A_28] : memref<32768xf32, #tpu.memory_space<hbm>> -> memref<2048xf32, #tpu.memory_space<hbm>>
      %dma_wait3A_64 = tpu.memref_slice %arg2[%mul3A_28] : memref<32768xf32, #tpu.memory_space<hbm>> -> memref<2048xf32, #tpu.memory_space<hbm>>
      tpu.wait_dma2 semaphore(%run_scoped3A : memref<!tpu.dma_semaphore, #tpu.memory_space<semaphore_mem>>) src(%dma_wait3A_64 : memref<2048xf32, #tpu.memory_space<hbm>>) dst(%arg10 : memref<2048xf32, #tpu.memory_space<vmem>>)
      tpu.yield
    }) : () -> ()
    %mul3A_29 = arith.constant 2048 : i32
    %mul3A_30 = arith.muli %select_n3A, %mul3A_29 : i32
    "tpu.region"() ({
      %run_scoped3A = tpu.sem_alloc : memref<!tpu.dma_semaphore, #tpu.memory_space<semaphore_mem>>
      %dma_start3A = tpu.memref_slice %arg3[%mul3A_30] : memref<32768xf32, #tpu.memory_space<hbm>> -> memref<2048xf32, #tpu.memory_space<hbm>>
      %dma_start3A_63 = tpu.memref_slice %arg3[%mul3A_30] : memref<32768xf32, #tpu.memory_space<hbm>> -> memref<2048xf32, #tpu.memory_space<hbm>>
      tpu.enqueue_dma source(%dma_start3A_63 : memref<2048xf32, #tpu.memory_space<hbm>>) target(%arg11 : memref<2048xf32, #tpu.memory_space<vmem>>) target_semaphore(%run_scoped3A : memref<!tpu.dma_semaphore, #tpu.memory_space<semaphore_mem>>)
      %dma_wait3A = tpu.memref_slice %arg3[%mul3A_30] : memref<32768xf32, #tpu.memory_space<hbm>> -> memref<2048xf32, #tpu.memory_space<hbm>>
      %dma_wait3A_64 = tpu.memref_slice %arg3[%mul3A_30] : memref<32768xf32, #tpu.memory_space<hbm>> -> memref<2048xf32, #tpu.memory_space<hbm>>
      tpu.wait_dma2 semaphore(%run_scoped3A : memref<!tpu.dma_semaphore, #tpu.memory_space<semaphore_mem>>) src(%dma_wait3A_64 : memref<2048xf32, #tpu.memory_space<hbm>>) dst(%arg11 : memref<2048xf32, #tpu.memory_space<vmem>>)
      tpu.yield
    }) : () -> ()
    %mul3A_31 = arith.constant 2048 : i32
    %mul3A_32 = arith.muli %select_n3A, %mul3A_31 : i32
    "tpu.region"() ({
      %run_scoped3A = tpu.sem_alloc : memref<!tpu.dma_semaphore, #tpu.memory_space<semaphore_mem>>
      %dma_start3A = tpu.memref_slice %arg4[%mul3A_32] : memref<32768xf32, #tpu.memory_space<hbm>> -> memref<2048xf32, #tpu.memory_space<hbm>>
      %dma_start3A_63 = tpu.memref_slice %arg4[%mul3A_32] : memref<32768xf32, #tpu.memory_space<hbm>> -> memref<2048xf32, #tpu.memory_space<hbm>>
      tpu.enqueue_dma source(%dma_start3A_63 : memref<2048xf32, #tpu.memory_space<hbm>>) target(%arg12 : memref<2048xf32, #tpu.memory_space<vmem>>) target_semaphore(%run_scoped3A : memref<!tpu.dma_semaphore, #tpu.memory_space<semaphore_mem>>)
      %dma_wait3A = tpu.memref_slice %arg4[%mul3A_32] : memref<32768xf32, #tpu.memory_space<hbm>> -> memref<2048xf32, #tpu.memory_space<hbm>>
      %dma_wait3A_64 = tpu.memref_slice %arg4[%mul3A_32] : memref<32768xf32, #tpu.memory_space<hbm>> -> memref<2048xf32, #tpu.memory_space<hbm>>
      tpu.wait_dma2 semaphore(%run_scoped3A : memref<!tpu.dma_semaphore, #tpu.memory_space<semaphore_mem>>) src(%dma_wait3A_64 : memref<2048xf32, #tpu.memory_space<hbm>>) dst(%arg12 : memref<2048xf32, #tpu.memory_space<vmem>>)
      tpu.yield
    }) : () -> ()
    %mul3A_33 = arith.constant 512 : i32
    %mul3A_34 = arith.muli %select_n3A, %mul3A_33 : i32
    %add3A_35 = arith.addi %mul3A_34, %mul3A_21 : i32
    "tpu.region"() ({
      %run_scoped3A = tpu.sem_alloc : memref<!tpu.dma_semaphore, #tpu.memory_space<semaphore_mem>>
      %dma_start3A = tpu.memref_slice %arg5[%add3A_35] : memref<8192xf32, #tpu.memory_space<hbm>> -> memref<256xf32, #tpu.memory_space<hbm>>
      %dma_start3A_63 = tpu.memref_slice %arg5[%add3A_35] : memref<8192xf32, #tpu.memory_space<hbm>> -> memref<256xf32, #tpu.memory_space<hbm>>
      tpu.enqueue_dma source(%dma_start3A_63 : memref<256xf32, #tpu.memory_space<hbm>>) target(%arg13 : memref<256xf32, #tpu.memory_space<vmem>>) target_semaphore(%run_scoped3A : memref<!tpu.dma_semaphore, #tpu.memory_space<semaphore_mem>>)
      %dma_wait3A = tpu.memref_slice %arg5[%add3A_35] : memref<8192xf32, #tpu.memory_space<hbm>> -> memref<256xf32, #tpu.memory_space<hbm>>
      %dma_wait3A_64 = tpu.memref_slice %arg5[%add3A_35] : memref<8192xf32, #tpu.memory_space<hbm>> -> memref<256xf32, #tpu.memory_space<hbm>>
      tpu.wait_dma2 semaphore(%run_scoped3A : memref<!tpu.dma_semaphore, #tpu.memory_space<semaphore_mem>>) src(%dma_wait3A_64 : memref<256xf32, #tpu.memory_space<hbm>>) dst(%arg13 : memref<256xf32, #tpu.memory_space<vmem>>)
      tpu.yield
    }) : () -> ()
    %mul3A_36 = arith.constant 512 : i32
    %mul3A_37 = arith.muli %select_n3A, %mul3A_36 : i32
    %add3A_38 = arith.addi %mul3A_37, %mul3A_21 : i32
    "tpu.region"() ({
      %run_scoped3A = tpu.sem_alloc : memref<!tpu.dma_semaphore, #tpu.memory_space<semaphore_mem>>
      %dma_start3A = tpu.memref_slice %arg6[%add3A_38] : memref<8192xf32, #tpu.memory_space<hbm>> -> memref<256xf32, #tpu.memory_space<hbm>>
      %dma_start3A_63 = tpu.memref_slice %arg6[%add3A_38] : memref<8192xf32, #tpu.memory_space<hbm>> -> memref<256xf32, #tpu.memory_space<hbm>>
      tpu.enqueue_dma source(%dma_start3A_63 : memref<256xf32, #tpu.memory_space<hbm>>) target(%arg14 : memref<256xf32, #tpu.memory_space<vmem>>) target_semaphore(%run_scoped3A : memref<!tpu.dma_semaphore, #tpu.memory_space<semaphore_mem>>)
      %dma_wait3A = tpu.memref_slice %arg6[%add3A_38] : memref<8192xf32, #tpu.memory_space<hbm>> -> memref<256xf32, #tpu.memory_space<hbm>>
      %dma_wait3A_64 = tpu.memref_slice %arg6[%add3A_38] : memref<8192xf32, #tpu.memory_space<hbm>> -> memref<256xf32, #tpu.memory_space<hbm>>
      tpu.wait_dma2 semaphore(%run_scoped3A : memref<!tpu.dma_semaphore, #tpu.memory_space<semaphore_mem>>) src(%dma_wait3A_64 : memref<256xf32, #tpu.memory_space<hbm>>) dst(%arg14 : memref<256xf32, #tpu.memory_space<vmem>>)
      tpu.yield
    }) : () -> ()
    %mul3A_39 = arith.constant 512 : i32
    %mul3A_40 = arith.muli %select_n3A, %mul3A_39 : i32
    %add3A_41 = arith.addi %mul3A_40, %mul3A_21 : i32
    "tpu.region"() ({
      %run_scoped3A = tpu.sem_alloc : memref<!tpu.dma_semaphore, #tpu.memory_space<semaphore_mem>>
      %dma_start3A = tpu.memref_slice %arg7[%add3A_41] : memref<8192xf32, #tpu.memory_space<hbm>> -> memref<256xf32, #tpu.memory_space<hbm>>
      %dma_start3A_63 = tpu.memref_slice %arg7[%add3A_41] : memref<8192xf32, #tpu.memory_space<hbm>> -> memref<256xf32, #tpu.memory_space<hbm>>
      tpu.enqueue_dma source(%dma_start3A_63 : memref<256xf32, #tpu.memory_space<hbm>>) target(%arg15 : memref<256xf32, #tpu.memory_space<vmem>>) target_semaphore(%run_scoped3A : memref<!tpu.dma_semaphore, #tpu.memory_space<semaphore_mem>>)
      %dma_wait3A = tpu.memref_slice %arg7[%add3A_41] : memref<8192xf32, #tpu.memory_space<hbm>> -> memref<256xf32, #tpu.memory_space<hbm>>
      %dma_wait3A_64 = tpu.memref_slice %arg7[%add3A_41] : memref<8192xf32, #tpu.memory_space<hbm>> -> memref<256xf32, #tpu.memory_space<hbm>>
      tpu.wait_dma2 semaphore(%run_scoped3A : memref<!tpu.dma_semaphore, #tpu.memory_space<semaphore_mem>>) src(%dma_wait3A_64 : memref<256xf32, #tpu.memory_space<hbm>>) dst(%arg15 : memref<256xf32, #tpu.memory_space<vmem>>)
      tpu.yield
    }) : () -> ()
    %mul3A_42 = arith.constant 512 : i32
    %mul3A_43 = arith.muli %select_n3A, %mul3A_42 : i32
    %add3A_44 = arith.addi %mul3A_43, %mul3A_21 : i32
    %mul3A_45 = arith.constant 128 : i32
    %mul3A_46 = arith.muli %add3A_44, %mul3A_45 : i32
    "tpu.region"() ({
      %run_scoped3A = tpu.sem_alloc : memref<!tpu.dma_semaphore, #tpu.memory_space<semaphore_mem>>
      %dma_start3A = tpu.memref_slice %arg8[%mul3A_46] : memref<1048576xf32, #tpu.memory_space<hbm>> -> memref<32768xf32, #tpu.memory_space<hbm>>
      %dma_start3A_63 = tpu.memref_slice %arg8[%mul3A_46] : memref<1048576xf32, #tpu.memory_space<hbm>> -> memref<32768xf32, #tpu.memory_space<hbm>>
      tpu.enqueue_dma source(%dma_start3A_63 : memref<32768xf32, #tpu.memory_space<hbm>>) target(%arg16 : memref<32768xf32, #tpu.memory_space<vmem>>) target_semaphore(%run_scoped3A : memref<!tpu.dma_semaphore, #tpu.memory_space<semaphore_mem>>)
      %dma_wait3A = tpu.memref_slice %arg8[%mul3A_46] : memref<1048576xf32, #tpu.memory_space<hbm>> -> memref<32768xf32, #tpu.memory_space<hbm>>
      %dma_wait3A_64 = tpu.memref_slice %arg8[%mul3A_46] : memref<1048576xf32, #tpu.memory_space<hbm>> -> memref<32768xf32, #tpu.memory_space<hbm>>
      tpu.wait_dma2 semaphore(%run_scoped3A : memref<!tpu.dma_semaphore, #tpu.memory_space<semaphore_mem>>) src(%dma_wait3A_64 : memref<32768xf32, #tpu.memory_space<hbm>>) dst(%arg16 : memref<32768xf32, #tpu.memory_space<vmem>>)
      tpu.yield
    }) : () -> ()
    %iota3A = tpu.iota {dimensions = array<i32: 0>} : vector<16xi32>
    %scan3A = arith.constant 0 : i32
    %scan3A_47 = arith.constant 0 : i32
    %scan3A_48 = arith.constant 256 : i32
    %scan3A_49 = arith.addi %scan3A_47, %scan3A_48 : i32
    %scan3A_50 = arith.constant 1 : i32
    %scan3A_51 = scf.for %scan3A_63 = %scan3A_47 to %scan3A_49 step %scan3A_50 iter_args(%scan3A_64 = %scan3A) -> (i32)  : i32 {
      %mul3A_65 = arith.constant 32 : i32
      %mul3A_66 = arith.muli %scan3A_63, %mul3A_65 : i32
      %mul3A_67 = arith.constant 128 : i32
      %mul3A_68 = arith.muli %scan3A_63, %mul3A_67 : i32
      %while3A = arith.constant 0 : i32
      %while3A_69 = arith.constant 0 : i32
      %while3A_70:2 = scf.while (%while3A_89 = %while3A, %while3A_90 = %while3A_69) : (i32, i32) -> (i32, i32) {
        %lt3A = arith.constant 4 : i32
        %lt3A_91 = arith.cmpi slt, %while3A_89, %lt3A : i32
        %lt3A_92 = arith.constant 32 : i32
        %lt3A_93 = arith.cmpi slt, %while3A_90, %lt3A_92 : i32
        %and3A_94 = arith.andi %lt3A_91, %lt3A_93 : i1
        scf.condition(%and3A_94) %while3A_89, %while3A_90 : i32, i32
      } do {
      ^bb0(%while3A_89: i32, %while3A_90: i32):
        %mul3A_91 = arith.constant 16 : i32
        %mul3A_92 = arith.muli %while3A_89, %mul3A_91 : i32
        %add3A_93 = arith.addi %mul3A_68, %mul3A_92 : i32
        %get3A = arith.index_cast %add3A_93 : i32 to index
        %get3A_94 = tpu.vector_load %arg16[%get3A] {strides = array<i32>} : memref<32768xf32, #tpu.memory_space<vmem>>, vector<16xf32>,
        %convert_element_type3A = arith.fptosi %get3A_94 : vector<16xf32> to vector<16xi32>
        %add3A_95 = arith.constant 64 : i32
        %add3A_96 = arith.addi %add3A_93, %add3A_95 : i32
        %get3A_97 = arith.index_cast %add3A_96 : i32 to index
        %get3A_98 = tpu.vector_load %arg16[%get3A_97] {strides = array<i32>} : memref<32768xf32, #tpu.memory_space<vmem>>, vector<16xf32>,
        %convert_element_type3A_99 = arith.fptosi %get3A_98 : vector<16xf32> to vector<16xi32>
        %shift_left3A = arith.constant 16 : i32
        %shift_left3A_100 = vector.broadcast %shift_left3A : i32 to vector<16xi32>
        %shift_left3A_101 = arith.shli %convert_element_type3A_99, %shift_left3A_100 : vector<16xi32>
        %or3A = arith.ori %convert_element_type3A, %shift_left3A_101 : vector<16xi32>
        %shift_right_logical3A = arith.constant 1 : i32
        %shift_right_logical3A_102 = vector.broadcast %shift_right_logical3A : i32 to vector<16xi32>
        %shift_right_logical3A_103 = arith.shrui %or3A, %shift_right_logical3A_102 : vector<16xi32>
        %and3A_104 = arith.constant 1431655765 : i32
        %and3A_105 = vector.broadcast %and3A_104 : i32 to vector<16xi32>
        %and3A_106 = arith.andi %shift_right_logical3A_103, %and3A_105 : vector<16xi32>
        %sub3A_107 = arith.subi %or3A, %and3A_106 : vector<16xi32>
        %and3A_108 = arith.constant 858993459 : i32
        %and3A_109 = vector.broadcast %and3A_108 : i32 to vector<16xi32>
        %and3A_110 = arith.andi %sub3A_107, %and3A_109 : vector<16xi32>
        %shift_right_logical3A_111 = arith.constant 2 : i32
        %shift_right_logical3A_112 = vector.broadcast %shift_right_logical3A_111 : i32 to vector<16xi32>
        %shift_right_logical3A_113 = arith.shrui %sub3A_107, %shift_right_logical3A_112 : vector<16xi32>
        %and3A_114 = arith.constant 858993459 : i32
        %and3A_115 = vector.broadcast %and3A_114 : i32 to vector<16xi32>
        %and3A_116 = arith.andi %shift_right_logical3A_113, %and3A_115 : vector<16xi32>
        %add3A_117 = arith.addi %and3A_110, %and3A_116 : vector<16xi32>
        %shift_right_logical3A_118 = arith.constant 4 : i32
        %shift_right_logical3A_119 = vector.broadcast %shift_right_logical3A_118 : i32 to vector<16xi32>
        %shift_right_logical3A_120 = arith.shrui %add3A_117, %shift_right_logical3A_119 : vector<16xi32>
        %add3A_121 = arith.addi %add3A_117, %shift_right_logical3A_120 : vector<16xi32>
        %and3A_122 = arith.constant 252645135 : i32
        %and3A_123 = vector.broadcast %and3A_122 : i32 to vector<16xi32>
        %and3A_124 = arith.andi %add3A_121, %and3A_123 : vector<16xi32>
        %shift_right_logical3A_125 = arith.constant 8 : i32
        %shift_right_logical3A_126 = vector.broadcast %shift_right_logical3A_125 : i32 to vector<16xi32>
        %shift_right_logical3A_127 = arith.shrui %and3A_124, %shift_right_logical3A_126 : vector<16xi32>
        %add3A_128 = arith.addi %and3A_124, %shift_right_logical3A_127 : vector<16xi32>
        %shift_right_logical3A_129 = arith.constant 16 : i32
        %shift_right_logical3A_130 = vector.broadcast %shift_right_logical3A_129 : i32 to vector<16xi32>
        %shift_right_logical3A_131 = arith.shrui %add3A_128, %shift_right_logical3A_130 : vector<16xi32>
        %add3A_132 = arith.addi %add3A_128, %shift_right_logical3A_131 : vector<16xi32>
        %and3A_133 = arith.constant 63 : i32
        %and3A_134 = vector.broadcast %and3A_133 : i32 to vector<16xi32>
        %and3A_135 = arith.andi %add3A_132, %and3A_134 : vector<16xi32>
        %broadcast_in_dim3A_136 = arith.constant true
        %broadcast_in_dim3A_137 = vector.broadcast %broadcast_in_dim3A_136 : i1 to vector<16xi1>
        %masked_cumsum3A = tpu.scan <sum>, %and3A_135 masked %broadcast_in_dim3A_137 : vector<16xi32>, vector<16xi1> -> vector<16xi32>
        %sub3A_138 = arith.subi %masked_cumsum3A, %and3A_135 : vector<16xi32>
        %add3A_139 = vector.broadcast %while3A_90 : i32 to vector<16xi32>
        %add3A_140 = arith.addi %add3A_139, %sub3A_138 : vector<16xi32>
        %mul3A_141 = arith.constant 16 : i32
        %mul3A_142 = arith.muli %while3A_89, %mul3A_141 : i32
        %add3A_143 = vector.broadcast %mul3A_142 : i32 to vector<16xi32>
        %add3A_144 = arith.addi %add3A_143, %iota3A : vector<16xi32>
        %mul3A_145 = arith.constant 32 : i32
        %mul3A_146 = vector.broadcast %mul3A_145 : i32 to vector<16xi32>
        %mul3A_147 = arith.muli %add3A_144, %mul3A_146 : vector<16xi32>
        %broadcast_in_dim3A_148 = arith.constant 0 : i32
        %broadcast_in_dim3A_149 = vector.broadcast %broadcast_in_dim3A_148 : i32 to vector<16xi32>
        %while3A_150:2 = scf.while (%while3A_157 = %or3A, %while3A_158 = %broadcast_in_dim3A_149) : (vector<16xi32>, vector<16xi32>) -> (vector<16xi32>, vector<16xi32>) {
          %ne3A_159 = arith.constant 0 : i32
          %ne3A_160 = vector.broadcast %ne3A_159 : i32 to vector<16xi32>
          %ne3A_161 = arith.cmpi ne, %while3A_157, %ne3A_160 : vector<16xi32>
          %reduce_or3A = arith.constant 1.000000e+00 : f32
          %reduce_or3A_162 = arith.constant 0.000000e+00 : f32
          %reduce_or3A_163 = vector.broadcast %reduce_or3A : f32 to vector<16xf32>
          %reduce_or3A_164 = vector.broadcast %reduce_or3A_162 : f32 to vector<16xf32>
          %reduce_or3A_165 = arith.select %ne3A_161, %reduce_or3A_163, %reduce_or3A_164 : vector<16xi1>, vector<16xf32>
          %reduce_or3A_166 = arith.constant true
          %reduce_or3A_167 = vector.broadcast %reduce_or3A_166 : i1 to vector<16xi1>
          %reduce_or3A_168 = tpu.scan <max>, %reduce_or3A_165 masked %reduce_or3A_167 : vector<16xf32>, vector<16xi1> -> vector<16xf32>
          %reduce_or3A_169 = vector.extract %reduce_or3A_168[15] : f32 from vector<16xf32>
          %reduce_or3A_170 = arith.constant 0.000000e+00 : f32
          %reduce_or3A_171 = arith.cmpf ogt, %reduce_or3A_169, %reduce_or3A_170 : f32
          scf.condition(%reduce_or3A_171) %while3A_157, %while3A_158 : vector<16xi32>, vector<16xi32>
        } do {
        ^bb0(%while3A_157: vector<16xi32>, %while3A_158: vector<16xi32>):
          %neg3A = arith.constant 0 : i32
          %neg3A_159 = vector.broadcast %neg3A : i32 to vector<16xi32>
          %neg3A_160 = arith.subi %neg3A_159, %while3A_157 : vector<16xi32>
          %and3A_161 = arith.andi %while3A_157, %neg3A_160 : vector<16xi32>
          %convert_element_type3A_162 = arith.sitofp %and3A_161 : vector<16xi32> to vector<16xf32>
          %bitcast3A = vector.bitcast %convert_element_type3A_162 : vector<16xf32> to vector<16xi32>
          %shift_right_logical3A_163 = arith.constant 23 : i32
          %shift_right_logical3A_164 = vector.broadcast %shift_right_logical3A_163 : i32 to vector<16xi32>
          %shift_right_logical3A_165 = arith.shrui %bitcast3A, %shift_right_logical3A_164 : vector<16xi32>
          %and3A_166 = arith.constant 255 : i32
          %and3A_167 = vector.broadcast %and3A_166 : i32 to vector<16xi32>
          %and3A_168 = arith.andi %shift_right_logical3A_165, %and3A_167 : vector<16xi32>
          %sub3A_169 = arith.constant 127 : i32
          %sub3A_170 = vector.broadcast %sub3A_169 : i32 to vector<16xi32>
          %sub3A_171 = arith.subi %and3A_168, %sub3A_170 : vector<16xi32>
          %ne3A_172 = arith.constant 0 : i32
          %ne3A_173 = vector.broadcast %ne3A_172 : i32 to vector<16xi32>
          %ne3A_174 = arith.cmpi ne, %while3A_157, %ne3A_173 : vector<16xi32>
          %add3A_175 = arith.addi %add3A_140, %while3A_158 : vector<16xi32>
          %add3A_176 = vector.broadcast %mul3A_66 : i32 to vector<16xi32>
          %add3A_177 = arith.addi %add3A_176, %add3A_175 : vector<16xi32>
          %add3A_178 = arith.addi %mul3A_147, %sub3A_171 : vector<16xi32>
          %lt3A = arith.constant 32 : i32
          %lt3A_179 = vector.broadcast %lt3A : i32 to vector<16xi32>
          %lt3A_180 = arith.cmpi slt, %add3A_175, %lt3A_179 : vector<16xi32>
          %and3A_181 = arith.andi %ne3A_174, %lt3A_180 : vector<16xi1>
          tpu.vector_store_idx %arg17[%add3A_177], %add3A_178 masked %and3A_181 : memref<8192xi32, #tpu.memory_space<vmem>>[vector<16xi32>], vector<16xi32>, vector<16xi1>
          %sub3A_182 = arith.constant 1 : i32
          %sub3A_183 = vector.broadcast %sub3A_182 : i32 to vector<16xi32>
          %sub3A_184 = arith.subi %while3A_157, %sub3A_183 : vector<16xi32>
          %and3A_185 = arith.andi %while3A_157, %sub3A_184 : vector<16xi32>
          %convert_element_type3A_186 = arith.extui %ne3A_174 : vector<16xi1> to vector<16xi32>
          %add3A_187 = arith.addi %while3A_158, %convert_element_type3A_186 : vector<16xi32>
          scf.yield %and3A_185, %add3A_187 : vector<16xi32>, vector<16xi32>
        }
        %add3A_151 = arith.constant 1 : i32
        %add3A_152 = arith.addi %while3A_89, %add3A_151 : i32
        %reduce_sum3A = arith.constant true
        %reduce_sum3A_153 = vector.broadcast %reduce_sum3A : i1 to vector<16xi1>
        %reduce_sum3A_154 = tpu.scan <sum>, %and3A_135 masked %reduce_sum3A_153 : vector<16xi32>, vector<16xi1> -> vector<16xi32>
        %reduce_sum3A_155 = vector.extract %reduce_sum3A_154[15] : i32 from vector<16xi32>
        %add3A_156 = arith.addi %while3A_90, %reduce_sum3A_155 : i32
        scf.yield %add3A_152, %add3A_156 : i32, i32
      }
      %broadcast_in_dim3A_71 = arith.constant 0 : i32
      %broadcast_in_dim3A_72 = vector.broadcast %broadcast_in_dim3A_71 : i32 to vector<16xi32>
      %add3A_73 = vector.broadcast %mul3A_66 : i32 to vector<16xi32>
      %add3A_74 = arith.addi %broadcast_in_dim3A_72, %add3A_73 : vector<16xi32>
      %gather3A = tpu.vector_load_idx %arg17[%add3A_74] : memref<8192xi32, #tpu.memory_space<vmem>>[vector<16xi32>], vector<16xi32>,
      %add3A_75 = arith.constant 0 : i32
      %add3A_76 = vector.broadcast %add3A_75 : i32 to vector<16xi32>
      %add3A_77 = arith.addi %add3A_76, %iota3A : vector<16xi32>
      %add3A_78 = vector.broadcast %mul3A_66 : i32 to vector<16xi32>
      %add3A_79 = arith.addi %add3A_78, %add3A_77 : vector<16xi32>
      %ge3A = vector.broadcast %while3A_70#1 : i32 to vector<16xi32>
      %ge3A_80 = arith.cmpi sge, %add3A_77, %ge3A : vector<16xi32>
      tpu.vector_store_idx %arg17[%add3A_79], %gather3A masked %ge3A_80 : memref<8192xi32, #tpu.memory_space<vmem>>[vector<16xi32>], vector<16xi32>, vector<16xi1>
      %add3A_81 = arith.constant 16 : i32
      %add3A_82 = vector.broadcast %add3A_81 : i32 to vector<16xi32>
      %add3A_83 = arith.addi %add3A_82, %iota3A : vector<16xi32>
      %add3A_84 = vector.broadcast %mul3A_66 : i32 to vector<16xi32>
      %add3A_85 = arith.addi %add3A_84, %add3A_83 : vector<16xi32>
      %ge3A_86 = vector.broadcast %while3A_70#1 : i32 to vector<16xi32>
      %ge3A_87 = arith.cmpi sge, %add3A_83, %ge3A_86 : vector<16xi32>
      tpu.vector_store_idx %arg17[%add3A_85], %gather3A masked %ge3A_87 : memref<8192xi32, #tpu.memory_space<vmem>>[vector<16xi32>], vector<16xi32>, vector<16xi1>
      %scan3A_88 = arith.constant 0 : i32
      scf.yield %scan3A_88 : i32
    }
    %scan3A_52 = arith.constant 256 : i32
    %broadcast_in_dim3A = arith.constant 0.000000e+00 : f32
    %broadcast_in_dim3A_53 = vector.broadcast %broadcast_in_dim3A : f32 to vector<16xf32>
    %scan3A_54 = arith.constant 0 : i32
    %scan3A_55 = arith.constant 0 : i32
    %scan3A_56 = arith.constant 512 : i32
    %scan3A_57 = arith.addi %scan3A_55, %scan3A_56 : i32
    %scan3A_58 = arith.constant 1 : i32
    %scan3A_59 = scf.for %scan3A_63 = %scan3A_55 to %scan3A_57 step %scan3A_58 iter_args(%scan3A_64 = %scan3A_54) -> (i32)  : i32 {
      %mul3A_65 = arith.constant 16 : i32
      %mul3A_66 = arith.muli %scan3A_63, %mul3A_65 : i32
      %add3A_67 = vector.broadcast %mul3A_66 : i32 to vector<16xi32>
      %add3A_68 = arith.addi %add3A_67, %iota3A : vector<16xi32>
      %shift_right_arithmetic3A = arith.constant 5 : i32
      %shift_right_arithmetic3A_69 = vector.broadcast %shift_right_arithmetic3A : i32 to vector<16xi32>
      %shift_right_arithmetic3A_70 = arith.shrsi %add3A_68, %shift_right_arithmetic3A_69 : vector<16xi32>
      %get3A = arith.index_cast %mul3A_66 : i32 to index
      %get3A_71 = tpu.vector_load %arg17[%get3A] {strides = array<i32>} : memref<8192xi32, #tpu.memory_space<vmem>>, vector<16xi32>,
      %mul3A_72 = arith.constant 4 : i32
      %mul3A_73 = vector.broadcast %mul3A_72 : i32 to vector<16xi32>
      %mul3A_74 = arith.muli %add3A_68, %mul3A_73 : vector<16xi32>
      %gather3A = tpu.vector_load_idx %arg10[%get3A_71] : memref<2048xf32, #tpu.memory_space<vmem>>[vector<16xi32>], vector<16xf32>,
      %gather3A_75 = tpu.vector_load_idx %arg13[%shift_right_arithmetic3A_70] : memref<256xf32, #tpu.memory_space<vmem>>[vector<16xi32>], vector<16xf32>,
      %sub3A_76 = arith.subf %gather3A, %gather3A_75 : vector<16xf32>
      tpu.vector_store_idx %arg18[%mul3A_74], %sub3A_76 : memref<32768xf32, #tpu.memory_space<vmem>>[vector<16xi32>], vector<16xf32>,
      %add3A_77 = arith.constant 1 : i32
      %add3A_78 = vector.broadcast %add3A_77 : i32 to vector<16xi32>
      %add3A_79 = arith.addi %mul3A_74, %add3A_78 : vector<16xi32>
      %gather3A_80 = tpu.vector_load_idx %arg11[%get3A_71] : memref<2048xf32, #tpu.memory_space<vmem>>[vector<16xi32>], vector<16xf32>,
      %gather3A_81 = tpu.vector_load_idx %arg14[%shift_right_arithmetic3A_70] : memref<256xf32, #tpu.memory_space<vmem>>[vector<16xi32>], vector<16xf32>,
      %sub3A_82 = arith.subf %gather3A_80, %gather3A_81 : vector<16xf32>
      tpu.vector_store_idx %arg18[%add3A_79], %sub3A_82 : memref<32768xf32, #tpu.memory_space<vmem>>[vector<16xi32>], vector<16xf32>,
      %add3A_83 = arith.constant 2 : i32
      %add3A_84 = vector.broadcast %add3A_83 : i32 to vector<16xi32>
      %add3A_85 = arith.addi %mul3A_74, %add3A_84 : vector<16xi32>
      %gather3A_86 = tpu.vector_load_idx %arg12[%get3A_71] : memref<2048xf32, #tpu.memory_space<vmem>>[vector<16xi32>], vector<16xf32>,
      %gather3A_87 = tpu.vector_load_idx %arg15[%shift_right_arithmetic3A_70] : memref<256xf32, #tpu.memory_space<vmem>>[vector<16xi32>], vector<16xf32>,
      %sub3A_88 = arith.subf %gather3A_86, %gather3A_87 : vector<16xf32>
      tpu.vector_store_idx %arg18[%add3A_85], %sub3A_88 : memref<32768xf32, #tpu.memory_space<vmem>>[vector<16xi32>], vector<16xf32>,
      %add3A_89 = arith.constant 3 : i32
      %add3A_90 = vector.broadcast %add3A_89 : i32 to vector<16xi32>
      %add3A_91 = arith.addi %mul3A_74, %add3A_90 : vector<16xi32>
      tpu.vector_store_idx %arg18[%add3A_91], %broadcast_in_dim3A_53 : memref<32768xf32, #tpu.memory_space<vmem>>[vector<16xi32>], vector<16xf32>,
      %scan3A_92 = arith.constant 0 : i32
      scf.yield %scan3A_92 : i32
    }
    %scan3A_60 = arith.constant 512 : i32
    %mul3A_61 = arith.constant 4 : i32
    %mul3A_62 = arith.muli %add3A_26, %mul3A_61 : i32
    "tpu.region"() ({
      %run_scoped3A = tpu.sem_alloc : memref<!tpu.dma_semaphore, #tpu.memory_space<semaphore_mem>>
      %dma_start3A = tpu.memref_slice %arg9[%mul3A_62] : memref<1048576xf32, #tpu.memory_space<hbm>> -> memref<32768xf32, #tpu.memory_space<hbm>>
      %dma_start3A_63 = tpu.memref_slice %arg9[%mul3A_62] : memref<1048576xf32, #tpu.memory_space<hbm>> -> memref<32768xf32, #tpu.memory_space<hbm>>
      tpu.enqueue_dma source(%arg18 : memref<32768xf32, #tpu.memory_space<vmem>>) target(%dma_start3A_63 : memref<32768xf32, #tpu.memory_space<hbm>>) target_semaphore(%run_scoped3A : memref<!tpu.dma_semaphore, #tpu.memory_space<semaphore_mem>>)
      %dma_wait3A = tpu.memref_slice %arg9[%mul3A_62] : memref<1048576xf32, #tpu.memory_space<hbm>> -> memref<32768xf32, #tpu.memory_space<hbm>>
      %dma_wait3A_64 = tpu.memref_slice %arg9[%mul3A_62] : memref<1048576xf32, #tpu.memory_space<hbm>> -> memref<32768xf32, #tpu.memory_space<hbm>>
      tpu.wait_dma2 semaphore(%run_scoped3A : memref<!tpu.dma_semaphore, #tpu.memory_space<semaphore_mem>>) src(%arg18 : memref<32768xf32, #tpu.memory_space<vmem>>) dst(%dma_wait3A_64 : memref<32768xf32, #tpu.memory_space<hbm>>)
      tpu.yield
    }) : () -> ()
    return
  }
}

module attributes {stable_mosaic.version = 14 : i64} {
  func.func @_fps_body(%arg0: memref<16x3x2048xf32, #tpu.memory_space<vmem>>, %arg1: memref<16x3x512xf32, #tpu.memory_space<vmem>>) attributes {dimension_semantics = [], scalar_prefetch = 0 : i64, scratch_operands = 0 : i64, tpu.core_type = #tpu.core_type<tc>} {
    %get3A = arith.constant 0 : index
    %get3A_0 = arith.constant 0 : index
    %get3A_1 = arith.constant 0 : index
    %get3A_2 = vector.load %arg0[%get3A, %get3A_0, %get3A_1] : memref<16x3x2048xf32, #tpu.memory_space<vmem>>, vector<16x1x2048xf32>
    %get3A_3 = vector.shape_cast %get3A_2 : vector<16x1x2048xf32> to vector<16x2048xf32>
    %get3A_4 = arith.constant 0 : index
    %get3A_5 = arith.constant 1 : index
    %get3A_6 = arith.constant 0 : index
    %get3A_7 = vector.load %arg0[%get3A_4, %get3A_5, %get3A_6] : memref<16x3x2048xf32, #tpu.memory_space<vmem>>, vector<16x1x2048xf32>
    %get3A_8 = vector.shape_cast %get3A_7 : vector<16x1x2048xf32> to vector<16x2048xf32>
    %get3A_9 = arith.constant 0 : index
    %get3A_10 = arith.constant 2 : index
    %get3A_11 = arith.constant 0 : index
    %get3A_12 = vector.load %arg0[%get3A_9, %get3A_10, %get3A_11] : memref<16x3x2048xf32, #tpu.memory_space<vmem>>, vector<16x1x2048xf32>
    %get3A_13 = vector.shape_cast %get3A_12 : vector<16x1x2048xf32> to vector<16x2048xf32>
    %iota3A = tpu.iota {dimensions = array<i32: 1>} : vector<16x2048xi32>
    %iota3A_14 = tpu.iota {dimensions = array<i32: 1>} : vector<1x512xi32>
    %broadcast_in_dim3A = arith.constant 0.000000e+00 : f32
    %broadcast_in_dim3A_15 = vector.broadcast %broadcast_in_dim3A : f32 to vector<16x512xf32>
    %broadcast_in_dim3A_16 = arith.constant 1.000000e+10 : f32
    %broadcast_in_dim3A_17 = vector.broadcast %broadcast_in_dim3A_16 : f32 to vector<16x2048xf32>
    %broadcast_in_dim3A_18 = arith.constant 0 : i32
    %broadcast_in_dim3A_19 = vector.broadcast %broadcast_in_dim3A_18 : i32 to vector<16x1xi32>
    %scan3A = arith.constant 0 : i32
    %scan3A_20 = arith.constant 512 : i32
    %scan3A_21 = arith.addi %scan3A, %scan3A_20 : i32
    %scan3A_22 = arith.constant 1 : i32
    %scan3A_23:5 = scf.for %scan3A_42 = %scan3A to %scan3A_21 step %scan3A_22 iter_args(%scan3A_43 = %broadcast_in_dim3A_17, %scan3A_44 = %broadcast_in_dim3A_19, %scan3A_45 = %broadcast_in_dim3A_15, %scan3A_46 = %broadcast_in_dim3A_15, %scan3A_47 = %broadcast_in_dim3A_15) -> (vector<16x2048xf32>, vector<16x1xi32>, vector<16x512xf32>, vector<16x512xf32>, vector<16x512xf32>)  : i32 {
      %eq3A = vector.broadcast %scan3A_44 : vector<16x1xi32> to vector<16x2048xi32>
      %eq3A_48 = arith.cmpi eq, %iota3A, %eq3A : vector<16x2048xi32>
      %jit3A = arith.constant 0.000000e+00 : f32
      %broadcast_in_dim3A_49 = vector.broadcast %jit3A : f32 to vector<16x2048xf32>
      %select_n3A = arith.select %eq3A_48, %get3A_3, %broadcast_in_dim3A_49 : vector<16x2048xi1>, vector<16x2048xf32>
      %reduce_sum3A = arith.constant dense<0.000000e+00> : vector<16xf32>
      %reduce_sum3A_50 = vector.multi_reduction <add>, %select_n3A, %reduce_sum3A [1] : vector<16x2048xf32> to vector<16xf32>
      %broadcast_in_dim3A_51 = vector.shape_cast %reduce_sum3A_50 : vector<16xf32> to vector<16x1xf32>
      %jit3A_52 = arith.constant 0.000000e+00 : f32
      %broadcast_in_dim3A_53 = vector.broadcast %jit3A_52 : f32 to vector<16x2048xf32>
      %select_n3A_54 = arith.select %eq3A_48, %get3A_8, %broadcast_in_dim3A_53 : vector<16x2048xi1>, vector<16x2048xf32>
      %reduce_sum3A_55 = arith.constant dense<0.000000e+00> : vector<16xf32>
      %reduce_sum3A_56 = vector.multi_reduction <add>, %select_n3A_54, %reduce_sum3A_55 [1] : vector<16x2048xf32> to vector<16xf32>
      %broadcast_in_dim3A_57 = vector.shape_cast %reduce_sum3A_56 : vector<16xf32> to vector<16x1xf32>
      %jit3A_58 = arith.constant 0.000000e+00 : f32
      %broadcast_in_dim3A_59 = vector.broadcast %jit3A_58 : f32 to vector<16x2048xf32>
      %select_n3A_60 = arith.select %eq3A_48, %get3A_13, %broadcast_in_dim3A_59 : vector<16x2048xi1>, vector<16x2048xf32>
      %reduce_sum3A_61 = arith.constant dense<0.000000e+00> : vector<16xf32>
      %reduce_sum3A_62 = vector.multi_reduction <add>, %select_n3A_60, %reduce_sum3A_61 [1] : vector<16x2048xf32> to vector<16xf32>
      %broadcast_in_dim3A_63 = vector.shape_cast %reduce_sum3A_62 : vector<16xf32> to vector<16x1xf32>
      %eq3A_64 = vector.broadcast %scan3A_42 : i32 to vector<1x512xi32>
      %eq3A_65 = arith.cmpi eq, %iota3A_14, %eq3A_64 : vector<1x512xi32>
      %broadcast_in_dim3A_66 = vector.shape_cast %eq3A_65 : vector<1x512xi1> to vector<1x512xi1>
      %broadcast_in_dim3A_67 = vector.broadcast %broadcast_in_dim3A_66 : vector<1x512xi1> to vector<16x512xi1>
      %broadcast_in_dim3A_68 = vector.shape_cast %broadcast_in_dim3A_51 : vector<16x1xf32> to vector<16x1xf32>
      %broadcast_in_dim3A_69 = vector.broadcast %broadcast_in_dim3A_68 : vector<16x1xf32> to vector<16x512xf32>
      %select_n3A_70 = arith.select %broadcast_in_dim3A_67, %broadcast_in_dim3A_69, %scan3A_45 : vector<16x512xi1>, vector<16x512xf32>
      %broadcast_in_dim3A_71 = vector.shape_cast %eq3A_65 : vector<1x512xi1> to vector<1x512xi1>
      %broadcast_in_dim3A_72 = vector.broadcast %broadcast_in_dim3A_71 : vector<1x512xi1> to vector<16x512xi1>
      %broadcast_in_dim3A_73 = vector.shape_cast %broadcast_in_dim3A_57 : vector<16x1xf32> to vector<16x1xf32>
      %broadcast_in_dim3A_74 = vector.broadcast %broadcast_in_dim3A_73 : vector<16x1xf32> to vector<16x512xf32>
      %select_n3A_75 = arith.select %broadcast_in_dim3A_72, %broadcast_in_dim3A_74, %scan3A_46 : vector<16x512xi1>, vector<16x512xf32>
      %broadcast_in_dim3A_76 = vector.shape_cast %eq3A_65 : vector<1x512xi1> to vector<1x512xi1>
      %broadcast_in_dim3A_77 = vector.broadcast %broadcast_in_dim3A_76 : vector<1x512xi1> to vector<16x512xi1>
      %broadcast_in_dim3A_78 = vector.shape_cast %broadcast_in_dim3A_63 : vector<16x1xf32> to vector<16x1xf32>
      %broadcast_in_dim3A_79 = vector.broadcast %broadcast_in_dim3A_78 : vector<16x1xf32> to vector<16x512xf32>
      %select_n3A_80 = arith.select %broadcast_in_dim3A_77, %broadcast_in_dim3A_79, %scan3A_47 : vector<16x512xi1>, vector<16x512xf32>
      %sub3A = vector.broadcast %broadcast_in_dim3A_51 : vector<16x1xf32> to vector<16x2048xf32>
      %sub3A_81 = arith.subf %get3A_3, %sub3A : vector<16x2048xf32>
      %sub3A_82 = vector.broadcast %broadcast_in_dim3A_57 : vector<16x1xf32> to vector<16x2048xf32>
      %sub3A_83 = arith.subf %get3A_8, %sub3A_82 : vector<16x2048xf32>
      %sub3A_84 = vector.broadcast %broadcast_in_dim3A_63 : vector<16x1xf32> to vector<16x2048xf32>
      %sub3A_85 = arith.subf %get3A_13, %sub3A_84 : vector<16x2048xf32>
      %mul3A = arith.mulf %sub3A_81, %sub3A_81 : vector<16x2048xf32>
      %mul3A_86 = arith.mulf %sub3A_83, %sub3A_83 : vector<16x2048xf32>
      %add3A = arith.addf %mul3A, %mul3A_86 : vector<16x2048xf32>
      %mul3A_87 = arith.mulf %sub3A_85, %sub3A_85 : vector<16x2048xf32>
      %add3A_88 = arith.addf %add3A, %mul3A_87 : vector<16x2048xf32>
      %min3A = arith.minimumf %scan3A_43, %add3A_88 : vector<16x2048xf32>
      %reduce_max3A = arith.constant dense<0xFF800000> : vector<16xf32>
      %reduce_max3A_89 = vector.multi_reduction <maximumf>, %min3A, %reduce_max3A [1] : vector<16x2048xf32> to vector<16xf32>
      %broadcast_in_dim3A_90 = vector.shape_cast %reduce_max3A_89 : vector<16xf32> to vector<16x1xf32>
      %eq3A_91 = vector.broadcast %broadcast_in_dim3A_90 : vector<16x1xf32> to vector<16x2048xf32>
      %eq3A_92 = arith.cmpf oeq, %min3A, %eq3A_91 : vector<16x2048xf32>
      %jit3A_93 = arith.constant 2048 : i32
      %broadcast_in_dim3A_94 = vector.broadcast %jit3A_93 : i32 to vector<16x2048xi32>
      %select_n3A_95 = arith.select %eq3A_92, %iota3A, %broadcast_in_dim3A_94 : vector<16x2048xi1>, vector<16x2048xi32>
      %reduce_min3A = arith.constant dense<2147483647> : vector<16xi32>
      %reduce_min3A_96 = vector.multi_reduction <minsi>, %select_n3A_95, %reduce_min3A [1] : vector<16x2048xi32> to vector<16xi32>
      %broadcast_in_dim3A_97 = vector.shape_cast %reduce_min3A_96 : vector<16xi32> to vector<16x1xi32>
      scf.yield %min3A, %broadcast_in_dim3A_97, %select_n3A_70, %select_n3A_75, %select_n3A_80 : vector<16x2048xf32>, vector<16x1xi32>, vector<16x512xf32>, vector<16x512xf32>, vector<16x512xf32>
    }
    %scan3A_24 = arith.constant 512 : i32
    %swap3A = arith.constant 0 : index
    %swap3A_25 = arith.constant 0 : index
    %swap3A_26 = arith.constant 0 : index
    %swap3A_27 = vector.load %arg1[%swap3A, %swap3A_25, %swap3A_26] : memref<16x3x512xf32, #tpu.memory_space<vmem>>, vector<16x1x512xf32>
    %swap3A_28 = vector.shape_cast %swap3A_27 : vector<16x1x512xf32> to vector<16x512xf32>
    %swap3A_29 = vector.shape_cast %scan3A_23#2 : vector<16x512xf32> to vector<16x1x512xf32>
    tpu.vector_store %arg1[%swap3A, %swap3A_25, %swap3A_26], %swap3A_29 {strides = array<i32>} : memref<16x3x512xf32, #tpu.memory_space<vmem>>, vector<16x1x512xf32>,
    %swap3A_30 = arith.constant 0 : index
    %swap3A_31 = arith.constant 1 : index
    %swap3A_32 = arith.constant 0 : index
    %swap3A_33 = vector.load %arg1[%swap3A_30, %swap3A_31, %swap3A_32] : memref<16x3x512xf32, #tpu.memory_space<vmem>>, vector<16x1x512xf32>
    %swap3A_34 = vector.shape_cast %swap3A_33 : vector<16x1x512xf32> to vector<16x512xf32>
    %swap3A_35 = vector.shape_cast %scan3A_23#3 : vector<16x512xf32> to vector<16x1x512xf32>
    tpu.vector_store %arg1[%swap3A_30, %swap3A_31, %swap3A_32], %swap3A_35 {strides = array<i32>} : memref<16x3x512xf32, #tpu.memory_space<vmem>>, vector<16x1x512xf32>,
    %swap3A_36 = arith.constant 0 : index
    %swap3A_37 = arith.constant 2 : index
    %swap3A_38 = arith.constant 0 : index
    %swap3A_39 = vector.load %arg1[%swap3A_36, %swap3A_37, %swap3A_38] : memref<16x3x512xf32, #tpu.memory_space<vmem>>, vector<16x1x512xf32>
    %swap3A_40 = vector.shape_cast %swap3A_39 : vector<16x1x512xf32> to vector<16x512xf32>
    %swap3A_41 = vector.shape_cast %scan3A_23#4 : vector<16x512xf32> to vector<16x1x512xf32>
    tpu.vector_store %arg1[%swap3A_36, %swap3A_37, %swap3A_38], %swap3A_41 {strides = array<i32>} : memref<16x3x512xf32, #tpu.memory_space<vmem>>, vector<16x1x512xf32>,
    return
  }
}

module attributes {stable_mosaic.version = 14 : i64} {
  func.func @_bqbits_body(%arg0: i32, %arg1: memref<1x3x2048xf32, #tpu.memory_space<vmem>>, %arg2: memref<1x512x3xf32, #tpu.memory_space<vmem>>, %arg3: memref<2048x128xf32, #tpu.memory_space<vmem>>, %arg4: memref<1x512x128xf32, #tpu.memory_space<vmem>>) attributes {dimension_semantics = [#tpu.dimension_semantics<arbitrary>], iteration_bounds = array<i64: 16>, scalar_prefetch = 0 : i64, scratch_operands = 0 : i64, tpu.core_type = #tpu.core_type<tc>, window_params = [{transform_indices = @transform_0, window_bounds = array<i64: 1, 3, 2048>}, {transform_indices = @transform_1, window_bounds = array<i64: 1, 512, 3>}, {pipeline_mode = #tpu.pipeline_mode<synchronous>, transform_indices = @transform_2, window_bounds = array<i64: 2048, 128>}, {transform_indices = @transform_3, window_bounds = array<i64: 1, 512, 128>}]} {
    %get3A = arith.constant 0 : index
    %get3A_0 = arith.constant 0 : index
    %get3A_1 = arith.constant 0 : index
    %get3A_2 = vector.load %arg1[%get3A, %get3A_0, %get3A_1] : memref<1x3x2048xf32, #tpu.memory_space<vmem>>, vector<1x3x2048xf32>
    %get3A_3 = vector.shape_cast %get3A_2 : vector<1x3x2048xf32> to vector<3x2048xf32>
    %get3A_4 = arith.constant 0 : index
    %get3A_5 = arith.constant 0 : index
    %get3A_6 = arith.constant 0 : index
    %get3A_7 = vector.load %arg2[%get3A_4, %get3A_5, %get3A_6] : memref<1x512x3xf32, #tpu.memory_space<vmem>>, vector<1x512x3xf32>
    %get3A_8 = vector.shape_cast %get3A_7 : vector<1x512x3xf32> to vector<512x3xf32>
    %dot_general3A = arith.constant dense<0.000000e+00> : vector<512x2048xf32>
    %dot_general3A_9 = tpu.matmul %get3A_8, %get3A_3, %dot_general3A {dimension_numbers = #tpu.dot_dimension_numbers<[1], [0], [0], [1], [0, 0, 1, 1], [], []>, transpose_lhs_hint = false} : vector<512x3xf32>, vector<3x2048xf32>, vector<512x2048xf32> -> vector<512x2048xf32>
    %mul3A = arith.mulf %get3A_8, %get3A_8 : vector<512x3xf32>
    %reduce_sum3A = arith.constant dense<0.000000e+00> : vector<512xf32>
    %reduce_sum3A_10 = vector.multi_reduction <add>, %mul3A, %reduce_sum3A [1] : vector<512x3xf32> to vector<512xf32>
    %broadcast_in_dim3A = vector.shape_cast %reduce_sum3A_10 : vector<512xf32> to vector<512x1xf32>
    %mul3A_11 = arith.mulf %get3A_3, %get3A_3 : vector<3x2048xf32>
    %reduce_sum3A_12 = arith.constant dense<0.000000e+00> : vector<2048xf32>
    %reduce_sum3A_13 = vector.multi_reduction <add>, %mul3A_11, %reduce_sum3A_12 [0] : vector<3x2048xf32> to vector<2048xf32>
    %broadcast_in_dim3A_14 = vector.shape_cast %reduce_sum3A_13 : vector<2048xf32> to vector<1x2048xf32>
    %mul3A_15 = arith.constant -2.000000e+00 : f32
    %mul3A_16 = vector.broadcast %mul3A_15 : f32 to vector<512x2048xf32>
    %mul3A_17 = arith.mulf %mul3A_16, %dot_general3A_9 : vector<512x2048xf32>
    %add3A = vector.broadcast %broadcast_in_dim3A : vector<512x1xf32> to vector<512x2048xf32>
    %add3A_18 = arith.addf %mul3A_17, %add3A : vector<512x2048xf32>
    %add3A_19 = vector.broadcast %broadcast_in_dim3A_14 : vector<1x2048xf32> to vector<512x2048xf32>
    %add3A_20 = arith.addf %add3A_18, %add3A_19 : vector<512x2048xf32>
    %le3A = arith.constant 4.000000e-02 : f32
    %le3A_21 = vector.broadcast %le3A : f32 to vector<512x2048xf32>
    %le3A_22 = arith.cmpf ole, %add3A_20, %le3A_21 : vector<512x2048xf32>
    %convert_element_type3A = arith.extui %le3A_22 : vector<512x2048xi1> to vector<512x2048xi32>
    %convert_element_type3A_23 = arith.sitofp %convert_element_type3A : vector<512x2048xi32> to vector<512x2048xf32>
    %get3A_24 = arith.constant 0 : index
    %get3A_25 = arith.constant 0 : index
    %get3A_26 = vector.load %arg3[%get3A_24, %get3A_25] : memref<2048x128xf32, #tpu.memory_space<vmem>>, vector<2048x128xf32>
    %dot_general3A_27 = arith.constant dense<0.000000e+00> : vector<512x128xf32>
    %dot_general3A_28 = tpu.matmul %convert_element_type3A_23, %get3A_26, %dot_general3A_27 {dimension_numbers = #tpu.dot_dimension_numbers<[1], [0], [0], [1], [0, 0, 1, 1], [], []>, transpose_lhs_hint = false} : vector<512x2048xf32>, vector<2048x128xf32>, vector<512x128xf32> -> vector<512x128xf32>
    %swap3A = arith.constant 0 : index
    %swap3A_29 = arith.constant 0 : index
    %swap3A_30 = arith.constant 0 : index
    %swap3A_31 = vector.load %arg4[%swap3A, %swap3A_29, %swap3A_30] : memref<1x512x128xf32, #tpu.memory_space<vmem>>, vector<1x512x128xf32>
    %swap3A_32 = vector.shape_cast %swap3A_31 : vector<1x512x128xf32> to vector<512x128xf32>
    %swap3A_33 = vector.shape_cast %dot_general3A_28 : vector<512x128xf32> to vector<1x512x128xf32>
    tpu.vector_store %arg4[%swap3A, %swap3A_29, %swap3A_30], %swap3A_33 {strides = array<i32>} : memref<1x512x128xf32, #tpu.memory_space<vmem>>, vector<1x512x128xf32>,
    return
  }
  func.func @transform_0(%arg0: i32) -> (i32, i32, i32) {
    %c0_i32 = arith.constant 0 : i32
    %c0_i32_0 = arith.constant 0 : i32
    %c0_i32_1 = arith.constant 0 : i32
    return %arg0, %c0_i32, %c0_i32_0 : i32, i32, i32
  }
  func.func @transform_1(%arg0: i32) -> (i32, i32, i32) {
    %c0_i32 = arith.constant 0 : i32
    %c0_i32_0 = arith.constant 0 : i32
    %c0_i32_1 = arith.constant 0 : i32
    return %arg0, %c0_i32, %c0_i32_0 : i32, i32, i32
  }
  func.func @transform_2(%arg0: i32) -> (i32, i32) {
    %c0_i32 = arith.constant 0 : i32
    %c0_i32_0 = arith.constant 0 : i32
    %c0_i32_1 = arith.constant 0 : i32
    return %c0_i32, %c0_i32_0 : i32, i32
  }
  func.func @transform_3(%arg0: i32) -> (i32, i32, i32) {
    %c0_i32 = arith.constant 0 : i32
    %c0_i32_0 = arith.constant 0 : i32
    %c0_i32_1 = arith.constant 0 : i32
    return %arg0, %c0_i32, %c0_i32_0 : i32, i32, i32
  }
}

module attributes {stable_mosaic.version = 14 : i64} {
  func.func @_fps_body(%arg0: memref<16x3x512xf32, #tpu.memory_space<vmem>>, %arg1: memref<16x3x128xf32, #tpu.memory_space<vmem>>) attributes {dimension_semantics = [], scalar_prefetch = 0 : i64, scratch_operands = 0 : i64, tpu.core_type = #tpu.core_type<tc>} {
    %get3A = arith.constant 0 : index
    %get3A_0 = arith.constant 0 : index
    %get3A_1 = arith.constant 0 : index
    %get3A_2 = vector.load %arg0[%get3A, %get3A_0, %get3A_1] : memref<16x3x512xf32, #tpu.memory_space<vmem>>, vector<16x1x512xf32>
    %get3A_3 = vector.shape_cast %get3A_2 : vector<16x1x512xf32> to vector<16x512xf32>
    %get3A_4 = arith.constant 0 : index
    %get3A_5 = arith.constant 1 : index
    %get3A_6 = arith.constant 0 : index
    %get3A_7 = vector.load %arg0[%get3A_4, %get3A_5, %get3A_6] : memref<16x3x512xf32, #tpu.memory_space<vmem>>, vector<16x1x512xf32>
    %get3A_8 = vector.shape_cast %get3A_7 : vector<16x1x512xf32> to vector<16x512xf32>
    %get3A_9 = arith.constant 0 : index
    %get3A_10 = arith.constant 2 : index
    %get3A_11 = arith.constant 0 : index
    %get3A_12 = vector.load %arg0[%get3A_9, %get3A_10, %get3A_11] : memref<16x3x512xf32, #tpu.memory_space<vmem>>, vector<16x1x512xf32>
    %get3A_13 = vector.shape_cast %get3A_12 : vector<16x1x512xf32> to vector<16x512xf32>
    %iota3A = tpu.iota {dimensions = array<i32: 1>} : vector<16x512xi32>
    %iota3A_14 = tpu.iota {dimensions = array<i32: 1>} : vector<1x128xi32>
    %broadcast_in_dim3A = arith.constant 0.000000e+00 : f32
    %broadcast_in_dim3A_15 = vector.broadcast %broadcast_in_dim3A : f32 to vector<16x128xf32>
    %broadcast_in_dim3A_16 = arith.constant 1.000000e+10 : f32
    %broadcast_in_dim3A_17 = vector.broadcast %broadcast_in_dim3A_16 : f32 to vector<16x512xf32>
    %broadcast_in_dim3A_18 = arith.constant 0 : i32
    %broadcast_in_dim3A_19 = vector.broadcast %broadcast_in_dim3A_18 : i32 to vector<16x1xi32>
    %scan3A = arith.constant 0 : i32
    %scan3A_20 = arith.constant 128 : i32
    %scan3A_21 = arith.addi %scan3A, %scan3A_20 : i32
    %scan3A_22 = arith.constant 1 : i32
    %scan3A_23:5 = scf.for %scan3A_42 = %scan3A to %scan3A_21 step %scan3A_22 iter_args(%scan3A_43 = %broadcast_in_dim3A_17, %scan3A_44 = %broadcast_in_dim3A_19, %scan3A_45 = %broadcast_in_dim3A_15, %scan3A_46 = %broadcast_in_dim3A_15, %scan3A_47 = %broadcast_in_dim3A_15) -> (vector<16x512xf32>, vector<16x1xi32>, vector<16x128xf32>, vector<16x128xf32>, vector<16x128xf32>)  : i32 {
      %eq3A = vector.broadcast %scan3A_44 : vector<16x1xi32> to vector<16x512xi32>
      %eq3A_48 = arith.cmpi eq, %iota3A, %eq3A : vector<16x512xi32>
      %jit3A = arith.constant 0.000000e+00 : f32
      %broadcast_in_dim3A_49 = vector.broadcast %jit3A : f32 to vector<16x512xf32>
      %select_n3A = arith.select %eq3A_48, %get3A_3, %broadcast_in_dim3A_49 : vector<16x512xi1>, vector<16x512xf32>
      %reduce_sum3A = arith.constant dense<0.000000e+00> : vector<16xf32>
      %reduce_sum3A_50 = vector.multi_reduction <add>, %select_n3A, %reduce_sum3A [1] : vector<16x512xf32> to vector<16xf32>
      %broadcast_in_dim3A_51 = vector.shape_cast %reduce_sum3A_50 : vector<16xf32> to vector<16x1xf32>
      %jit3A_52 = arith.constant 0.000000e+00 : f32
      %broadcast_in_dim3A_53 = vector.broadcast %jit3A_52 : f32 to vector<16x512xf32>
      %select_n3A_54 = arith.select %eq3A_48, %get3A_8, %broadcast_in_dim3A_53 : vector<16x512xi1>, vector<16x512xf32>
      %reduce_sum3A_55 = arith.constant dense<0.000000e+00> : vector<16xf32>
      %reduce_sum3A_56 = vector.multi_reduction <add>, %select_n3A_54, %reduce_sum3A_55 [1] : vector<16x512xf32> to vector<16xf32>
      %broadcast_in_dim3A_57 = vector.shape_cast %reduce_sum3A_56 : vector<16xf32> to vector<16x1xf32>
      %jit3A_58 = arith.constant 0.000000e+00 : f32
      %broadcast_in_dim3A_59 = vector.broadcast %jit3A_58 : f32 to vector<16x512xf32>
      %select_n3A_60 = arith.select %eq3A_48, %get3A_13, %broadcast_in_dim3A_59 : vector<16x512xi1>, vector<16x512xf32>
      %reduce_sum3A_61 = arith.constant dense<0.000000e+00> : vector<16xf32>
      %reduce_sum3A_62 = vector.multi_reduction <add>, %select_n3A_60, %reduce_sum3A_61 [1] : vector<16x512xf32> to vector<16xf32>
      %broadcast_in_dim3A_63 = vector.shape_cast %reduce_sum3A_62 : vector<16xf32> to vector<16x1xf32>
      %eq3A_64 = vector.broadcast %scan3A_42 : i32 to vector<1x128xi32>
      %eq3A_65 = arith.cmpi eq, %iota3A_14, %eq3A_64 : vector<1x128xi32>
      %broadcast_in_dim3A_66 = vector.shape_cast %eq3A_65 : vector<1x128xi1> to vector<1x128xi1>
      %broadcast_in_dim3A_67 = vector.broadcast %broadcast_in_dim3A_66 : vector<1x128xi1> to vector<16x128xi1>
      %broadcast_in_dim3A_68 = vector.shape_cast %broadcast_in_dim3A_51 : vector<16x1xf32> to vector<16x1xf32>
      %broadcast_in_dim3A_69 = vector.broadcast %broadcast_in_dim3A_68 : vector<16x1xf32> to vector<16x128xf32>
      %select_n3A_70 = arith.select %broadcast_in_dim3A_67, %broadcast_in_dim3A_69, %scan3A_45 : vector<16x128xi1>, vector<16x128xf32>
      %broadcast_in_dim3A_71 = vector.shape_cast %eq3A_65 : vector<1x128xi1> to vector<1x128xi1>
      %broadcast_in_dim3A_72 = vector.broadcast %broadcast_in_dim3A_71 : vector<1x128xi1> to vector<16x128xi1>
      %broadcast_in_dim3A_73 = vector.shape_cast %broadcast_in_dim3A_57 : vector<16x1xf32> to vector<16x1xf32>
      %broadcast_in_dim3A_74 = vector.broadcast %broadcast_in_dim3A_73 : vector<16x1xf32> to vector<16x128xf32>
      %select_n3A_75 = arith.select %broadcast_in_dim3A_72, %broadcast_in_dim3A_74, %scan3A_46 : vector<16x128xi1>, vector<16x128xf32>
      %broadcast_in_dim3A_76 = vector.shape_cast %eq3A_65 : vector<1x128xi1> to vector<1x128xi1>
      %broadcast_in_dim3A_77 = vector.broadcast %broadcast_in_dim3A_76 : vector<1x128xi1> to vector<16x128xi1>
      %broadcast_in_dim3A_78 = vector.shape_cast %broadcast_in_dim3A_63 : vector<16x1xf32> to vector<16x1xf32>
      %broadcast_in_dim3A_79 = vector.broadcast %broadcast_in_dim3A_78 : vector<16x1xf32> to vector<16x128xf32>
      %select_n3A_80 = arith.select %broadcast_in_dim3A_77, %broadcast_in_dim3A_79, %scan3A_47 : vector<16x128xi1>, vector<16x128xf32>
      %sub3A = vector.broadcast %broadcast_in_dim3A_51 : vector<16x1xf32> to vector<16x512xf32>
      %sub3A_81 = arith.subf %get3A_3, %sub3A : vector<16x512xf32>
      %sub3A_82 = vector.broadcast %broadcast_in_dim3A_57 : vector<16x1xf32> to vector<16x512xf32>
      %sub3A_83 = arith.subf %get3A_8, %sub3A_82 : vector<16x512xf32>
      %sub3A_84 = vector.broadcast %broadcast_in_dim3A_63 : vector<16x1xf32> to vector<16x512xf32>
      %sub3A_85 = arith.subf %get3A_13, %sub3A_84 : vector<16x512xf32>
      %mul3A = arith.mulf %sub3A_81, %sub3A_81 : vector<16x512xf32>
      %mul3A_86 = arith.mulf %sub3A_83, %sub3A_83 : vector<16x512xf32>
      %add3A = arith.addf %mul3A, %mul3A_86 : vector<16x512xf32>
      %mul3A_87 = arith.mulf %sub3A_85, %sub3A_85 : vector<16x512xf32>
      %add3A_88 = arith.addf %add3A, %mul3A_87 : vector<16x512xf32>
      %min3A = arith.minimumf %scan3A_43, %add3A_88 : vector<16x512xf32>
      %reduce_max3A = arith.constant dense<0xFF800000> : vector<16xf32>
      %reduce_max3A_89 = vector.multi_reduction <maximumf>, %min3A, %reduce_max3A [1] : vector<16x512xf32> to vector<16xf32>
      %broadcast_in_dim3A_90 = vector.shape_cast %reduce_max3A_89 : vector<16xf32> to vector<16x1xf32>
      %eq3A_91 = vector.broadcast %broadcast_in_dim3A_90 : vector<16x1xf32> to vector<16x512xf32>
      %eq3A_92 = arith.cmpf oeq, %min3A, %eq3A_91 : vector<16x512xf32>
      %jit3A_93 = arith.constant 512 : i32
      %broadcast_in_dim3A_94 = vector.broadcast %jit3A_93 : i32 to vector<16x512xi32>
      %select_n3A_95 = arith.select %eq3A_92, %iota3A, %broadcast_in_dim3A_94 : vector<16x512xi1>, vector<16x512xi32>
      %reduce_min3A = arith.constant dense<2147483647> : vector<16xi32>
      %reduce_min3A_96 = vector.multi_reduction <minsi>, %select_n3A_95, %reduce_min3A [1] : vector<16x512xi32> to vector<16xi32>
      %broadcast_in_dim3A_97 = vector.shape_cast %reduce_min3A_96 : vector<16xi32> to vector<16x1xi32>
      scf.yield %min3A, %broadcast_in_dim3A_97, %select_n3A_70, %select_n3A_75, %select_n3A_80 : vector<16x512xf32>, vector<16x1xi32>, vector<16x128xf32>, vector<16x128xf32>, vector<16x128xf32>
    }
    %scan3A_24 = arith.constant 128 : i32
    %swap3A = arith.constant 0 : index
    %swap3A_25 = arith.constant 0 : index
    %swap3A_26 = arith.constant 0 : index
    %swap3A_27 = vector.load %arg1[%swap3A, %swap3A_25, %swap3A_26] : memref<16x3x128xf32, #tpu.memory_space<vmem>>, vector<16x1x128xf32>
    %swap3A_28 = vector.shape_cast %swap3A_27 : vector<16x1x128xf32> to vector<16x128xf32>
    %swap3A_29 = vector.shape_cast %scan3A_23#2 : vector<16x128xf32> to vector<16x1x128xf32>
    tpu.vector_store %arg1[%swap3A, %swap3A_25, %swap3A_26], %swap3A_29 {strides = array<i32>} : memref<16x3x128xf32, #tpu.memory_space<vmem>>, vector<16x1x128xf32>,
    %swap3A_30 = arith.constant 0 : index
    %swap3A_31 = arith.constant 1 : index
    %swap3A_32 = arith.constant 0 : index
    %swap3A_33 = vector.load %arg1[%swap3A_30, %swap3A_31, %swap3A_32] : memref<16x3x128xf32, #tpu.memory_space<vmem>>, vector<16x1x128xf32>
    %swap3A_34 = vector.shape_cast %swap3A_33 : vector<16x1x128xf32> to vector<16x128xf32>
    %swap3A_35 = vector.shape_cast %scan3A_23#3 : vector<16x128xf32> to vector<16x1x128xf32>
    tpu.vector_store %arg1[%swap3A_30, %swap3A_31, %swap3A_32], %swap3A_35 {strides = array<i32>} : memref<16x3x128xf32, #tpu.memory_space<vmem>>, vector<16x1x128xf32>,
    %swap3A_36 = arith.constant 0 : index
    %swap3A_37 = arith.constant 2 : index
    %swap3A_38 = arith.constant 0 : index
    %swap3A_39 = vector.load %arg1[%swap3A_36, %swap3A_37, %swap3A_38] : memref<16x3x128xf32, #tpu.memory_space<vmem>>, vector<16x1x128xf32>
    %swap3A_40 = vector.shape_cast %swap3A_39 : vector<16x1x128xf32> to vector<16x128xf32>
    %swap3A_41 = vector.shape_cast %scan3A_23#4 : vector<16x128xf32> to vector<16x1x128xf32>
    tpu.vector_store %arg1[%swap3A_36, %swap3A_37, %swap3A_38], %swap3A_41 {strides = array<i32>} : memref<16x3x128xf32, #tpu.memory_space<vmem>>, vector<16x1x128xf32>,
    return
  }
}

module attributes {stable_mosaic.version = 14 : i64} {
  func.func @_bqbits_body(%arg0: i32, %arg1: memref<1x3x512xf32, #tpu.memory_space<vmem>>, %arg2: memref<1x128x3xf32, #tpu.memory_space<vmem>>, %arg3: memref<512x32xf32, #tpu.memory_space<vmem>>, %arg4: memref<1x128x32xf32, #tpu.memory_space<vmem>>) attributes {dimension_semantics = [#tpu.dimension_semantics<arbitrary>], iteration_bounds = array<i64: 16>, scalar_prefetch = 0 : i64, scratch_operands = 0 : i64, tpu.core_type = #tpu.core_type<tc>, window_params = [{transform_indices = @transform_0, window_bounds = array<i64: 1, 3, 512>}, {transform_indices = @transform_1, window_bounds = array<i64: 1, 128, 3>}, {pipeline_mode = #tpu.pipeline_mode<synchronous>, transform_indices = @transform_2, window_bounds = array<i64: 512, 32>}, {transform_indices = @transform_3, window_bounds = array<i64: 1, 128, 32>}]} {
    %get3A = arith.constant 0 : index
    %get3A_0 = arith.constant 0 : index
    %get3A_1 = arith.constant 0 : index
    %get3A_2 = vector.load %arg1[%get3A, %get3A_0, %get3A_1] : memref<1x3x512xf32, #tpu.memory_space<vmem>>, vector<1x3x512xf32>
    %get3A_3 = vector.shape_cast %get3A_2 : vector<1x3x512xf32> to vector<3x512xf32>
    %get3A_4 = arith.constant 0 : index
    %get3A_5 = arith.constant 0 : index
    %get3A_6 = arith.constant 0 : index
    %get3A_7 = vector.load %arg2[%get3A_4, %get3A_5, %get3A_6] : memref<1x128x3xf32, #tpu.memory_space<vmem>>, vector<1x128x3xf32>
    %get3A_8 = vector.shape_cast %get3A_7 : vector<1x128x3xf32> to vector<128x3xf32>
    %dot_general3A = arith.constant dense<0.000000e+00> : vector<128x512xf32>
    %dot_general3A_9 = tpu.matmul %get3A_8, %get3A_3, %dot_general3A {dimension_numbers = #tpu.dot_dimension_numbers<[1], [0], [0], [1], [0, 0, 1, 1], [], []>, transpose_lhs_hint = false} : vector<128x3xf32>, vector<3x512xf32>, vector<128x512xf32> -> vector<128x512xf32>
    %mul3A = arith.mulf %get3A_8, %get3A_8 : vector<128x3xf32>
    %reduce_sum3A = arith.constant dense<0.000000e+00> : vector<128xf32>
    %reduce_sum3A_10 = vector.multi_reduction <add>, %mul3A, %reduce_sum3A [1] : vector<128x3xf32> to vector<128xf32>
    %broadcast_in_dim3A = vector.shape_cast %reduce_sum3A_10 : vector<128xf32> to vector<128x1xf32>
    %mul3A_11 = arith.mulf %get3A_3, %get3A_3 : vector<3x512xf32>
    %reduce_sum3A_12 = arith.constant dense<0.000000e+00> : vector<512xf32>
    %reduce_sum3A_13 = vector.multi_reduction <add>, %mul3A_11, %reduce_sum3A_12 [0] : vector<3x512xf32> to vector<512xf32>
    %broadcast_in_dim3A_14 = vector.shape_cast %reduce_sum3A_13 : vector<512xf32> to vector<1x512xf32>
    %mul3A_15 = arith.constant -2.000000e+00 : f32
    %mul3A_16 = vector.broadcast %mul3A_15 : f32 to vector<128x512xf32>
    %mul3A_17 = arith.mulf %mul3A_16, %dot_general3A_9 : vector<128x512xf32>
    %add3A = vector.broadcast %broadcast_in_dim3A : vector<128x1xf32> to vector<128x512xf32>
    %add3A_18 = arith.addf %mul3A_17, %add3A : vector<128x512xf32>
    %add3A_19 = vector.broadcast %broadcast_in_dim3A_14 : vector<1x512xf32> to vector<128x512xf32>
    %add3A_20 = arith.addf %add3A_18, %add3A_19 : vector<128x512xf32>
    %le3A = arith.constant 1.600000e-01 : f32
    %le3A_21 = vector.broadcast %le3A : f32 to vector<128x512xf32>
    %le3A_22 = arith.cmpf ole, %add3A_20, %le3A_21 : vector<128x512xf32>
    %convert_element_type3A = arith.extui %le3A_22 : vector<128x512xi1> to vector<128x512xi32>
    %convert_element_type3A_23 = arith.sitofp %convert_element_type3A : vector<128x512xi32> to vector<128x512xf32>
    %get3A_24 = arith.constant 0 : index
    %get3A_25 = arith.constant 0 : index
    %get3A_26 = vector.load %arg3[%get3A_24, %get3A_25] : memref<512x32xf32, #tpu.memory_space<vmem>>, vector<512x32xf32>
    %dot_general3A_27 = arith.constant dense<0.000000e+00> : vector<128x32xf32>
    %dot_general3A_28 = tpu.matmul %convert_element_type3A_23, %get3A_26, %dot_general3A_27 {dimension_numbers = #tpu.dot_dimension_numbers<[1], [0], [0], [1], [0, 0, 1, 1], [], []>, transpose_lhs_hint = false} : vector<128x512xf32>, vector<512x32xf32>, vector<128x32xf32> -> vector<128x32xf32>
    %swap3A = arith.constant 0 : index
    %swap3A_29 = arith.constant 0 : index
    %swap3A_30 = arith.constant 0 : index
    %swap3A_31 = vector.load %arg4[%swap3A, %swap3A_29, %swap3A_30] : memref<1x128x32xf32, #tpu.memory_space<vmem>>, vector<1x128x32xf32>
    %swap3A_32 = vector.shape_cast %swap3A_31 : vector<1x128x32xf32> to vector<128x32xf32>
    %swap3A_33 = vector.shape_cast %dot_general3A_28 : vector<128x32xf32> to vector<1x128x32xf32>
    tpu.vector_store %arg4[%swap3A, %swap3A_29, %swap3A_30], %swap3A_33 {strides = array<i32>} : memref<1x128x32xf32, #tpu.memory_space<vmem>>, vector<1x128x32xf32>,
    return
  }
  func.func @transform_0(%arg0: i32) -> (i32, i32, i32) {
    %c0_i32 = arith.constant 0 : i32
    %c0_i32_0 = arith.constant 0 : i32
    %c0_i32_1 = arith.constant 0 : i32
    return %arg0, %c0_i32, %c0_i32_0 : i32, i32, i32
  }
  func.func @transform_1(%arg0: i32) -> (i32, i32, i32) {
    %c0_i32 = arith.constant 0 : i32
    %c0_i32_0 = arith.constant 0 : i32
    %c0_i32_1 = arith.constant 0 : i32
    return %arg0, %c0_i32, %c0_i32_0 : i32, i32, i32
  }
  func.func @transform_2(%arg0: i32) -> (i32, i32) {
    %c0_i32 = arith.constant 0 : i32
    %c0_i32_0 = arith.constant 0 : i32
    %c0_i32_1 = arith.constant 0 : i32
    return %c0_i32, %c0_i32_0 : i32, i32
  }
  func.func @transform_3(%arg0: i32) -> (i32, i32, i32) {
    %c0_i32 = arith.constant 0 : i32
    %c0_i32_0 = arith.constant 0 : i32
    %c0_i32_1 = arith.constant 0 : i32
    return %arg0, %c0_i32, %c0_i32_0 : i32, i32, i32
  }
}

module attributes {stable_mosaic.version = 14 : i64} {
  func.func @_mlp1_body(%arg0: i32, %arg1: memref<4x64xf32, #tpu.memory_space<vmem>>, %arg2: memref<1x64xf32, #tpu.memory_space<vmem>>, %arg3: memref<64x64xf32, #tpu.memory_space<vmem>>, %arg4: memref<1x64xf32, #tpu.memory_space<vmem>>, %arg5: memref<64x128xf32, #tpu.memory_space<vmem>>, %arg6: memref<1x128xf32, #tpu.memory_space<vmem>>, %arg7: memref<1x16384x4xf32, #tpu.memory_space<vmem>>, %arg8: memref<1x512x128xf32, #tpu.memory_space<vmem>>) attributes {dimension_semantics = [#tpu.dimension_semantics<arbitrary>], iteration_bounds = array<i64: 16>, scalar_prefetch = 0 : i64, scratch_operands = 0 : i64, tpu.core_type = #tpu.core_type<tc>, window_params = [{pipeline_mode = #tpu.pipeline_mode<synchronous>, transform_indices = @transform_0, window_bounds = array<i64: 4, 64>}, {pipeline_mode = #tpu.pipeline_mode<synchronous>, transform_indices = @transform_1, window_bounds = array<i64: 1, 64>}, {pipeline_mode = #tpu.pipeline_mode<synchronous>, transform_indices = @transform_2, window_bounds = array<i64: 64, 64>}, {pipeline_mode = #tpu.pipeline_mode<synchronous>, transform_indices = @transform_3, window_bounds = array<i64: 1, 64>}, {pipeline_mode = #tpu.pipeline_mode<synchronous>, transform_indices = @transform_4, window_bounds = array<i64: 64, 128>}, {pipeline_mode = #tpu.pipeline_mode<synchronous>, transform_indices = @transform_5, window_bounds = array<i64: 1, 128>}, {transform_indices = @transform_6, window_bounds = array<i64: 1, 16384, 4>}, {transform_indices = @transform_7, window_bounds = array<i64: 1, 512, 128>}]} {
    %get3A = arith.constant 0 : index
    %get3A_0 = arith.constant 0 : index
    %get3A_1 = arith.constant 0 : index
    %get3A_2 = vector.load %arg7[%get3A, %get3A_0, %get3A_1] : memref<1x16384x4xf32, #tpu.memory_space<vmem>>, vector<1x16384x4xf32>
    %get3A_3 = vector.shape_cast %get3A_2 : vector<1x16384x4xf32> to vector<16384x4xf32>
    %get3A_4 = arith.constant 0 : index
    %get3A_5 = arith.constant 0 : index
    %get3A_6 = vector.load %arg1[%get3A_4, %get3A_5] : memref<4x64xf32, #tpu.memory_space<vmem>>, vector<4x64xf32>
    %dot_general3A = arith.constant dense<0.000000e+00> : vector<16384x64xf32>
    %dot_general3A_7 = tpu.matmul %get3A_3, %get3A_6, %dot_general3A {dimension_numbers = #tpu.dot_dimension_numbers<[1], [0], [0], [1], [0, 0, 1, 1], [], []>, transpose_lhs_hint = false} : vector<16384x4xf32>, vector<4x64xf32>, vector<16384x64xf32> -> vector<16384x64xf32>
    %get3A_8 = arith.constant 0 : index
    %get3A_9 = arith.constant 0 : index
    %get3A_10 = vector.load %arg2[%get3A_8, %get3A_9] : memref<1x64xf32, #tpu.memory_space<vmem>>, vector<1x64xf32>
    %add3A = vector.broadcast %get3A_10 : vector<1x64xf32> to vector<16384x64xf32>
    %add3A_11 = arith.addf %dot_general3A_7, %add3A : vector<16384x64xf32>
    %max3A = arith.constant 0.000000e+00 : f32
    %max3A_12 = vector.broadcast %max3A : f32 to vector<16384x64xf32>
    %max3A_13 = arith.maximumf %add3A_11, %max3A_12 : vector<16384x64xf32>
    %get3A_14 = arith.constant 0 : index
    %get3A_15 = arith.constant 0 : index
    %get3A_16 = vector.load %arg3[%get3A_14, %get3A_15] : memref<64x64xf32, #tpu.memory_space<vmem>>, vector<64x64xf32>
    %dot_general3A_17 = arith.constant dense<0.000000e+00> : vector<16384x64xf32>
    %dot_general3A_18 = tpu.matmul %max3A_13, %get3A_16, %dot_general3A_17 {dimension_numbers = #tpu.dot_dimension_numbers<[1], [0], [0], [1], [0, 0, 1, 1], [], []>, transpose_lhs_hint = false} : vector<16384x64xf32>, vector<64x64xf32>, vector<16384x64xf32> -> vector<16384x64xf32>
    %get3A_19 = arith.constant 0 : index
    %get3A_20 = arith.constant 0 : index
    %get3A_21 = vector.load %arg4[%get3A_19, %get3A_20] : memref<1x64xf32, #tpu.memory_space<vmem>>, vector<1x64xf32>
    %add3A_22 = vector.broadcast %get3A_21 : vector<1x64xf32> to vector<16384x64xf32>
    %add3A_23 = arith.addf %dot_general3A_18, %add3A_22 : vector<16384x64xf32>
    %max3A_24 = arith.constant 0.000000e+00 : f32
    %max3A_25 = vector.broadcast %max3A_24 : f32 to vector<16384x64xf32>
    %max3A_26 = arith.maximumf %add3A_23, %max3A_25 : vector<16384x64xf32>
    %get3A_27 = arith.constant 0 : index
    %get3A_28 = arith.constant 0 : index
    %get3A_29 = vector.load %arg5[%get3A_27, %get3A_28] : memref<64x128xf32, #tpu.memory_space<vmem>>, vector<64x128xf32>
    %dot_general3A_30 = arith.constant dense<0.000000e+00> : vector<16384x128xf32>
    %dot_general3A_31 = tpu.matmul %max3A_26, %get3A_29, %dot_general3A_30 {dimension_numbers = #tpu.dot_dimension_numbers<[1], [0], [0], [1], [0, 0, 1, 1], [], []>, transpose_lhs_hint = false} : vector<16384x64xf32>, vector<64x128xf32>, vector<16384x128xf32> -> vector<16384x128xf32>
    %get3A_32 = arith.constant 0 : index
    %get3A_33 = arith.constant 0 : index
    %get3A_34 = vector.load %arg6[%get3A_32, %get3A_33] : memref<1x128xf32, #tpu.memory_space<vmem>>, vector<1x128xf32>
    %add3A_35 = vector.broadcast %get3A_34 : vector<1x128xf32> to vector<16384x128xf32>
    %add3A_36 = arith.addf %dot_general3A_31, %add3A_35 : vector<16384x128xf32>
    %max3A_37 = arith.constant 0.000000e+00 : f32
    %max3A_38 = vector.broadcast %max3A_37 : f32 to vector<16384x128xf32>
    %max3A_39 = arith.maximumf %add3A_36, %max3A_38 : vector<16384x128xf32>
    %reshape3A = vector.shape_cast %max3A_39 : vector<16384x128xf32> to vector<512x32x128xf32>
    %reduce_max3A = arith.constant dense<0xFF800000> : vector<512x128xf32>
    %reduce_max3A_40 = vector.multi_reduction <maximumf>, %reshape3A, %reduce_max3A [1] : vector<512x32x128xf32> to vector<512x128xf32>
    %swap3A = arith.constant 0 : index
    %swap3A_41 = arith.constant 0 : index
    %swap3A_42 = arith.constant 0 : index
    %swap3A_43 = vector.load %arg8[%swap3A, %swap3A_41, %swap3A_42] : memref<1x512x128xf32, #tpu.memory_space<vmem>>, vector<1x512x128xf32>
    %swap3A_44 = vector.shape_cast %swap3A_43 : vector<1x512x128xf32> to vector<512x128xf32>
    %swap3A_45 = vector.shape_cast %reduce_max3A_40 : vector<512x128xf32> to vector<1x512x128xf32>
    tpu.vector_store %arg8[%swap3A, %swap3A_41, %swap3A_42], %swap3A_45 {strides = array<i32>} : memref<1x512x128xf32, #tpu.memory_space<vmem>>, vector<1x512x128xf32>,
    return
  }
  func.func @transform_0(%arg0: i32) -> (i32, i32) {
    %c0_i32 = arith.constant 0 : i32
    %c0_i32_0 = arith.constant 0 : i32
    %c0_i32_1 = arith.constant 0 : i32
    return %c0_i32, %c0_i32_0 : i32, i32
  }
  func.func @transform_1(%arg0: i32) -> (i32, i32) {
    %c0_i32 = arith.constant 0 : i32
    %c0_i32_0 = arith.constant 0 : i32
    %c0_i32_1 = arith.constant 0 : i32
    return %c0_i32, %c0_i32_0 : i32, i32
  }
  func.func @transform_2(%arg0: i32) -> (i32, i32) {
    %c0_i32 = arith.constant 0 : i32
    %c0_i32_0 = arith.constant 0 : i32
    %c0_i32_1 = arith.constant 0 : i32
    return %c0_i32, %c0_i32_0 : i32, i32
  }
  func.func @transform_3(%arg0: i32) -> (i32, i32) {
    %c0_i32 = arith.constant 0 : i32
    %c0_i32_0 = arith.constant 0 : i32
    %c0_i32_1 = arith.constant 0 : i32
    return %c0_i32, %c0_i32_0 : i32, i32
  }
  func.func @transform_4(%arg0: i32) -> (i32, i32) {
    %c0_i32 = arith.constant 0 : i32
    %c0_i32_0 = arith.constant 0 : i32
    %c0_i32_1 = arith.constant 0 : i32
    return %c0_i32, %c0_i32_0 : i32, i32
  }
  func.func @transform_5(%arg0: i32) -> (i32, i32) {
    %c0_i32 = arith.constant 0 : i32
    %c0_i32_0 = arith.constant 0 : i32
    %c0_i32_1 = arith.constant 0 : i32
    return %c0_i32, %c0_i32_0 : i32, i32
  }
  func.func @transform_6(%arg0: i32) -> (i32, i32, i32) {
    %c0_i32 = arith.constant 0 : i32
    %c0_i32_0 = arith.constant 0 : i32
    %c0_i32_1 = arith.constant 0 : i32
    return %arg0, %c0_i32, %c0_i32_0 : i32, i32, i32
  }
  func.func @transform_7(%arg0: i32) -> (i32, i32, i32) {
    %c0_i32 = arith.constant 0 : i32
    %c0_i32_0 = arith.constant 0 : i32
    %c0_i32_1 = arith.constant 0 : i32
    return %arg0, %c0_i32, %c0_i32_0 : i32, i32, i32
  }
}

module attributes {stable_mosaic.version = 14 : i64} {
  func.func @_mlp2_body(%arg0: i32, %arg1: i32, %arg2: memref<4x128xf32, #tpu.memory_space<vmem>>, %arg3: memref<128x128xf32, #tpu.memory_space<vmem>>, %arg4: memref<1x128xf32, #tpu.memory_space<vmem>>, %arg5: memref<128x128xf32, #tpu.memory_space<vmem>>, %arg6: memref<1x128xf32, #tpu.memory_space<vmem>>, %arg7: memref<128x256xf32, #tpu.memory_space<vmem>>, %arg8: memref<1x256xf32, #tpu.memory_space<vmem>>, %arg9: memref<1x2048x1xi32, #tpu.memory_space<vmem>>, %arg10: memref<1x512x4xf32, #tpu.memory_space<vmem>>, %arg11: memref<1x512x128xf32, #tpu.memory_space<vmem>>, %arg12: memref<1x32x4xf32, #tpu.memory_space<vmem>>, %arg13: memref<1x32x256xf32, #tpu.memory_space<vmem>>) attributes {dimension_semantics = [#tpu.dimension_semantics<arbitrary>, #tpu.dimension_semantics<arbitrary>], iteration_bounds = array<i64: 16, 4>, scalar_prefetch = 0 : i64, scratch_operands = 0 : i64, tpu.core_type = #tpu.core_type<tc>, window_params = [{pipeline_mode = #tpu.pipeline_mode<synchronous>, transform_indices = @transform_0, window_bounds = array<i64: 4, 128>}, {pipeline_mode = #tpu.pipeline_mode<synchronous>, transform_indices = @transform_1, window_bounds = array<i64: 128, 128>}, {pipeline_mode = #tpu.pipeline_mode<synchronous>, transform_indices = @transform_2, window_bounds = array<i64: 1, 128>}, {pipeline_mode = #tpu.pipeline_mode<synchronous>, transform_indices = @transform_3, window_bounds = array<i64: 128, 128>}, {pipeline_mode = #tpu.pipeline_mode<synchronous>, transform_indices = @transform_4, window_bounds = array<i64: 1, 128>}, {pipeline_mode = #tpu.pipeline_mode<synchronous>, transform_indices = @transform_5, window_bounds = array<i64: 128, 256>}, {pipeline_mode = #tpu.pipeline_mode<synchronous>, transform_indices = @transform_6, window_bounds = array<i64: 1, 256>}, {transform_indices = @transform_7, window_bounds = array<i64: 1, 2048, 1>}, {transform_indices = @transform_8, window_bounds = array<i64: 1, 512, 4>}, {transform_indices = @transform_9, window_bounds = array<i64: 1, 512, 128>}, {transform_indices = @transform_10, window_bounds = array<i64: 1, 32, 4>}, {transform_indices = @transform_11, window_bounds = array<i64: 1, 32, 256>}]} {
    %get3A = arith.constant 0 : index
    %get3A_0 = arith.constant 0 : index
    %get3A_1 = arith.constant 0 : index
    %get3A_2 = vector.load %arg9[%get3A, %get3A_0, %get3A_1] : memref<1x2048x1xi32, #tpu.memory_space<vmem>>, vector<1x2048x1xi32>
    %get3A_3 = vector.shape_cast %get3A_2 : vector<1x2048x1xi32> to vector<2048x1xi32>
    %get3A_4 = arith.constant 0 : index
    %get3A_5 = arith.constant 0 : index
    %get3A_6 = arith.constant 0 : index
    %get3A_7 = vector.load %arg10[%get3A_4, %get3A_5, %get3A_6] : memref<1x512x4xf32, #tpu.memory_space<vmem>>, vector<1x512x4xf32>
    %get3A_8 = vector.shape_cast %get3A_7 : vector<1x512x4xf32> to vector<512x4xf32>
    %get3A_9 = arith.constant 0 : index
    %get3A_10 = arith.constant 0 : index
    %get3A_11 = arith.constant 0 : index
    %get3A_12 = vector.load %arg11[%get3A_9, %get3A_10, %get3A_11] : memref<1x512x128xf32, #tpu.memory_space<vmem>>, vector<1x512x128xf32>
    %get3A_13 = vector.shape_cast %get3A_12 : vector<1x512x128xf32> to vector<512x128xf32>
    %iota3A = tpu.iota {dimensions = array<i32: 1>} : vector<2048x512xi32>
    %eq3A = vector.broadcast %get3A_3 : vector<2048x1xi32> to vector<2048x512xi32>
    %eq3A_14 = arith.cmpi eq, %iota3A, %eq3A : vector<2048x512xi32>
    %convert_element_type3A = arith.extui %eq3A_14 : vector<2048x512xi1> to vector<2048x512xi32>
    %convert_element_type3A_15 = arith.sitofp %convert_element_type3A : vector<2048x512xi32> to vector<2048x512xf32>
    %dot_general3A = arith.constant dense<0.000000e+00> : vector<2048x4xf32>
    %dot_general3A_16 = tpu.matmul %convert_element_type3A_15, %get3A_8, %dot_general3A {dimension_numbers = #tpu.dot_dimension_numbers<[1], [0], [0], [1], [0, 0, 1, 1], [], []>, transpose_lhs_hint = false} : vector<2048x512xf32>, vector<512x4xf32>, vector<2048x4xf32> -> vector<2048x4xf32>
    %dot_general3A_17 = arith.constant dense<0.000000e+00> : vector<2048x128xf32>
    %dot_general3A_18 = tpu.matmul %convert_element_type3A_15, %get3A_13, %dot_general3A_17 {dimension_numbers = #tpu.dot_dimension_numbers<[1], [0], [0], [1], [0, 0, 1, 1], [], []>, transpose_lhs_hint = false} : vector<2048x512xf32>, vector<512x128xf32>, vector<2048x128xf32> -> vector<2048x128xf32>
    %get3A_19 = arith.constant 0 : index
    %get3A_20 = arith.constant 0 : index
    %get3A_21 = arith.constant 0 : index
    %get3A_22 = vector.load %arg12[%get3A_19, %get3A_20, %get3A_21] : memref<1x32x4xf32, #tpu.memory_space<vmem>>, vector<1x32x4xf32>
    %get3A_23 = vector.shape_cast %get3A_22 : vector<1x32x4xf32> to vector<32x4xf32>
    %broadcast_in_dim3A = vector.shape_cast %get3A_23 : vector<32x4xf32> to vector<32x1x4xf32>
    %broadcast_in_dim3A_24 = vector.shape_cast %broadcast_in_dim3A : vector<32x1x4xf32> to vector<32x1x4xf32>
    %broadcast_in_dim3A_25 = vector.broadcast %broadcast_in_dim3A_24 : vector<32x1x4xf32> to vector<32x64x4xf32>
    %reshape3A = vector.shape_cast %broadcast_in_dim3A_25 : vector<32x64x4xf32> to vector<2048x4xf32>
    %sub3A = arith.subf %dot_general3A_16, %reshape3A : vector<2048x4xf32>
    %get3A_26 = arith.constant 0 : index
    %get3A_27 = arith.constant 0 : index
    %get3A_28 = vector.load %arg2[%get3A_26, %get3A_27] : memref<4x128xf32, #tpu.memory_space<vmem>>, vector<4x128xf32>
    %dot_general3A_29 = arith.constant dense<0.000000e+00> : vector<2048x128xf32>
    %dot_general3A_30 = tpu.matmul %sub3A, %get3A_28, %dot_general3A_29 {dimension_numbers = #tpu.dot_dimension_numbers<[1], [0], [0], [1], [0, 0, 1, 1], [], []>, transpose_lhs_hint = false} : vector<2048x4xf32>, vector<4x128xf32>, vector<2048x128xf32> -> vector<2048x128xf32>
    %get3A_31 = arith.constant 0 : index
    %get3A_32 = arith.constant 0 : index
    %get3A_33 = vector.load %arg3[%get3A_31, %get3A_32] : memref<128x128xf32, #tpu.memory_space<vmem>>, vector<128x128xf32>
    %dot_general3A_34 = arith.constant dense<0.000000e+00> : vector<2048x128xf32>
    %dot_general3A_35 = tpu.matmul %dot_general3A_18, %get3A_33, %dot_general3A_34 {dimension_numbers = #tpu.dot_dimension_numbers<[1], [0], [0], [1], [0, 0, 1, 1], [], []>, transpose_lhs_hint = false} : vector<2048x128xf32>, vector<128x128xf32>, vector<2048x128xf32> -> vector<2048x128xf32>
    %add3A = arith.addf %dot_general3A_30, %dot_general3A_35 : vector<2048x128xf32>
    %get3A_36 = arith.constant 0 : index
    %get3A_37 = arith.constant 0 : index
    %get3A_38 = vector.load %arg4[%get3A_36, %get3A_37] : memref<1x128xf32, #tpu.memory_space<vmem>>, vector<1x128xf32>
    %add3A_39 = vector.broadcast %get3A_38 : vector<1x128xf32> to vector<2048x128xf32>
    %add3A_40 = arith.addf %add3A, %add3A_39 : vector<2048x128xf32>
    %max3A = arith.constant 0.000000e+00 : f32
    %max3A_41 = vector.broadcast %max3A : f32 to vector<2048x128xf32>
    %max3A_42 = arith.maximumf %add3A_40, %max3A_41 : vector<2048x128xf32>
    %get3A_43 = arith.constant 0 : index
    %get3A_44 = arith.constant 0 : index
    %get3A_45 = vector.load %arg5[%get3A_43, %get3A_44] : memref<128x128xf32, #tpu.memory_space<vmem>>, vector<128x128xf32>
    %dot_general3A_46 = arith.constant dense<0.000000e+00> : vector<2048x128xf32>
    %dot_general3A_47 = tpu.matmul %max3A_42, %get3A_45, %dot_general3A_46 {dimension_numbers = #tpu.dot_dimension_numbers<[1], [0], [0], [1], [0, 0, 1, 1], [], []>, transpose_lhs_hint = false} : vector<2048x128xf32>, vector<128x128xf32>, vector<2048x128xf32> -> vector<2048x128xf32>
    %get3A_48 = arith.constant 0 : index
    %get3A_49 = arith.constant 0 : index
    %get3A_50 = vector.load %arg6[%get3A_48, %get3A_49] : memref<1x128xf32, #tpu.memory_space<vmem>>, vector<1x128xf32>
    %add3A_51 = vector.broadcast %get3A_50 : vector<1x128xf32> to vector<2048x128xf32>
    %add3A_52 = arith.addf %dot_general3A_47, %add3A_51 : vector<2048x128xf32>
    %max3A_53 = arith.constant 0.000000e+00 : f32
    %max3A_54 = vector.broadcast %max3A_53 : f32 to vector<2048x128xf32>
    %max3A_55 = arith.maximumf %add3A_52, %max3A_54 : vector<2048x128xf32>
    %get3A_56 = arith.constant 0 : index
    %get3A_57 = arith.constant 0 : index
    %get3A_58 = vector.load %arg7[%get3A_56, %get3A_57] : memref<128x256xf32, #tpu.memory_space<vmem>>, vector<128x256xf32>
    %dot_general3A_59 = arith.constant dense<0.000000e+00> : vector<2048x256xf32>
    %dot_general3A_60 = tpu.matmul %max3A_55, %get3A_58, %dot_general3A_59 {dimension_numbers = #tpu.dot_dimension_numbers<[1], [0], [0], [1], [0, 0, 1, 1], [], []>, transpose_lhs_hint = false} : vector<2048x128xf32>, vector<128x256xf32>, vector<2048x256xf32> -> vector<2048x256xf32>
    %get3A_61 = arith.constant 0 : index
    %get3A_62 = arith.constant 0 : index
    %get3A_63 = vector.load %arg8[%get3A_61, %get3A_62] : memref<1x256xf32, #tpu.memory_space<vmem>>, vector<1x256xf32>
    %add3A_64 = vector.broadcast %get3A_63 : vector<1x256xf32> to vector<2048x256xf32>
    %add3A_65 = arith.addf %dot_general3A_60, %add3A_64 : vector<2048x256xf32>
    %max3A_66 = arith.constant 0.000000e+00 : f32
    %max3A_67 = vector.broadcast %max3A_66 : f32 to vector<2048x256xf32>
    %max3A_68 = arith.maximumf %add3A_65, %max3A_67 : vector<2048x256xf32>
    %reshape3A_69 = vector.shape_cast %max3A_68 : vector<2048x256xf32> to vector<32x64x256xf32>
    %reduce_max3A = arith.constant dense<0xFF800000> : vector<32x256xf32>
    %reduce_max3A_70 = vector.multi_reduction <maximumf>, %reshape3A_69, %reduce_max3A [1] : vector<32x64x256xf32> to vector<32x256xf32>
    %swap3A = arith.constant 0 : index
    %swap3A_71 = arith.constant 0 : index
    %swap3A_72 = arith.constant 0 : index
    %swap3A_73 = vector.load %arg13[%swap3A, %swap3A_71, %swap3A_72] : memref<1x32x256xf32, #tpu.memory_space<vmem>>, vector<1x32x256xf32>
    %swap3A_74 = vector.shape_cast %swap3A_73 : vector<1x32x256xf32> to vector<32x256xf32>
    %swap3A_75 = vector.shape_cast %reduce_max3A_70 : vector<32x256xf32> to vector<1x32x256xf32>
    tpu.vector_store %arg13[%swap3A, %swap3A_71, %swap3A_72], %swap3A_75 {strides = array<i32>} : memref<1x32x256xf32, #tpu.memory_space<vmem>>, vector<1x32x256xf32>,
    return
  }
  func.func @transform_0(%arg0: i32, %arg1: i32) -> (i32, i32) {
    %c0_i32 = arith.constant 0 : i32
    %c0_i32_0 = arith.constant 0 : i32
    %c0_i32_1 = arith.constant 0 : i32
    return %c0_i32, %c0_i32_0 : i32, i32
  }
  func.func @transform_1(%arg0: i32, %arg1: i32) -> (i32, i32) {
    %c0_i32 = arith.constant 0 : i32
    %c0_i32_0 = arith.constant 0 : i32
    %c0_i32_1 = arith.constant 0 : i32
    return %c0_i32, %c0_i32_0 : i32, i32
  }
  func.func @transform_2(%arg0: i32, %arg1: i32) -> (i32, i32) {
    %c0_i32 = arith.constant 0 : i32
    %c0_i32_0 = arith.constant 0 : i32
    %c0_i32_1 = arith.constant 0 : i32
    return %c0_i32, %c0_i32_0 : i32, i32
  }
  func.func @transform_3(%arg0: i32, %arg1: i32) -> (i32, i32) {
    %c0_i32 = arith.constant 0 : i32
    %c0_i32_0 = arith.constant 0 : i32
    %c0_i32_1 = arith.constant 0 : i32
    return %c0_i32, %c0_i32_0 : i32, i32
  }
  func.func @transform_4(%arg0: i32, %arg1: i32) -> (i32, i32) {
    %c0_i32 = arith.constant 0 : i32
    %c0_i32_0 = arith.constant 0 : i32
    %c0_i32_1 = arith.constant 0 : i32
    return %c0_i32, %c0_i32_0 : i32, i32
  }
  func.func @transform_5(%arg0: i32, %arg1: i32) -> (i32, i32) {
    %c0_i32 = arith.constant 0 : i32
    %c0_i32_0 = arith.constant 0 : i32
    %c0_i32_1 = arith.constant 0 : i32
    return %c0_i32, %c0_i32_0 : i32, i32
  }
  func.func @transform_6(%arg0: i32, %arg1: i32) -> (i32, i32) {
    %c0_i32 = arith.constant 0 : i32
    %c0_i32_0 = arith.constant 0 : i32
    %c0_i32_1 = arith.constant 0 : i32
    return %c0_i32, %c0_i32_0 : i32, i32
  }
  func.func @transform_7(%arg0: i32, %arg1: i32) -> (i32, i32, i32) {
    %c0_i32 = arith.constant 0 : i32
    %c0_i32_0 = arith.constant 0 : i32
    return %arg0, %arg1, %c0_i32 : i32, i32, i32
  }
  func.func @transform_8(%arg0: i32, %arg1: i32) -> (i32, i32, i32) {
    %c0_i32 = arith.constant 0 : i32
    %c0_i32_0 = arith.constant 0 : i32
    %c0_i32_1 = arith.constant 0 : i32
    return %arg0, %c0_i32, %c0_i32_0 : i32, i32, i32
  }
  func.func @transform_9(%arg0: i32, %arg1: i32) -> (i32, i32, i32) {
    %c0_i32 = arith.constant 0 : i32
    %c0_i32_0 = arith.constant 0 : i32
    %c0_i32_1 = arith.constant 0 : i32
    return %arg0, %c0_i32, %c0_i32_0 : i32, i32, i32
  }
  func.func @transform_10(%arg0: i32, %arg1: i32) -> (i32, i32, i32) {
    %c0_i32 = arith.constant 0 : i32
    %c0_i32_0 = arith.constant 0 : i32
    return %arg0, %arg1, %c0_i32 : i32, i32, i32
  }
  func.func @transform_11(%arg0: i32, %arg1: i32) -> (i32, i32, i32) {
    %c0_i32 = arith.constant 0 : i32
    %c0_i32_0 = arith.constant 0 : i32
    return %arg0, %arg1, %c0_i32 : i32, i32, i32
  }
}

module attributes {stable_mosaic.version = 14 : i64} {
  func.func @_sa3_body(%arg0: i32, %arg1: memref<4x256xf32, #tpu.memory_space<vmem>>, %arg2: memref<256x256xf32, #tpu.memory_space<vmem>>, %arg3: memref<1x256xf32, #tpu.memory_space<vmem>>, %arg4: memref<256x512xf32, #tpu.memory_space<vmem>>, %arg5: memref<1x512xf32, #tpu.memory_space<vmem>>, %arg6: memref<512x1024xf32, #tpu.memory_space<vmem>>, %arg7: memref<1x1024xf32, #tpu.memory_space<vmem>>, %arg8: memref<1024x512xf32, #tpu.memory_space<vmem>>, %arg9: memref<1x512xf32, #tpu.memory_space<vmem>>, %arg10: memref<512x256xf32, #tpu.memory_space<vmem>>, %arg11: memref<1x256xf32, #tpu.memory_space<vmem>>, %arg12: memref<1x128x4xf32, #tpu.memory_space<vmem>>, %arg13: memref<1x128x256xf32, #tpu.memory_space<vmem>>, %arg14: memref<1x1x1024xf32, #tpu.memory_space<vmem>>, %arg15: memref<1x1x256xf32, #tpu.memory_space<vmem>>) attributes {dimension_semantics = [#tpu.dimension_semantics<arbitrary>], iteration_bounds = array<i64: 16>, scalar_prefetch = 0 : i64, scratch_operands = 0 : i64, tpu.core_type = #tpu.core_type<tc>, window_params = [{pipeline_mode = #tpu.pipeline_mode<synchronous>, transform_indices = @transform_0, window_bounds = array<i64: 4, 256>}, {pipeline_mode = #tpu.pipeline_mode<synchronous>, transform_indices = @transform_1, window_bounds = array<i64: 256, 256>}, {pipeline_mode = #tpu.pipeline_mode<synchronous>, transform_indices = @transform_2, window_bounds = array<i64: 1, 256>}, {pipeline_mode = #tpu.pipeline_mode<synchronous>, transform_indices = @transform_3, window_bounds = array<i64: 256, 512>}, {pipeline_mode = #tpu.pipeline_mode<synchronous>, transform_indices = @transform_4, window_bounds = array<i64: 1, 512>}, {pipeline_mode = #tpu.pipeline_mode<synchronous>, transform_indices = @transform_5, window_bounds = array<i64: 512, 1024>}, {pipeline_mode = #tpu.pipeline_mode<synchronous>, transform_indices = @transform_6, window_bounds = array<i64: 1, 1024>}, {pipeline_mode = #tpu.pipeline_mode<synchronous>, transform_indices = @transform_7, window_bounds = array<i64: 1024, 512>}, {pipeline_mode = #tpu.pipeline_mode<synchronous>, transform_indices = @transform_8, window_bounds = array<i64: 1, 512>}, {pipeline_mode = #tpu.pipeline_mode<synchronous>, transform_indices = @transform_9, window_bounds = array<i64: 512, 256>}, {pipeline_mode = #tpu.pipeline_mode<synchronous>, transform_indices = @transform_10, window_bounds = array<i64: 1, 256>}, {transform_indices = @transform_11, window_bounds = array<i64: 1, 128, 4>}, {transform_indices = @transform_12, window_bounds = array<i64: 1, 128, 256>}, {transform_indices = @transform_13, window_bounds = array<i64: 1, 1, 1024>}, {transform_indices = @transform_14, window_bounds = array<i64: 1, 1, 256>}]} {
    %get3A = arith.constant 0 : index
    %get3A_0 = arith.constant 0 : index
    %get3A_1 = arith.constant 0 : index
    %get3A_2 = vector.load %arg12[%get3A, %get3A_0, %get3A_1] : memref<1x128x4xf32, #tpu.memory_space<vmem>>, vector<1x128x4xf32>
    %get3A_3 = vector.shape_cast %get3A_2 : vector<1x128x4xf32> to vector<128x4xf32>
    %get3A_4 = arith.constant 0 : index
    %get3A_5 = arith.constant 0 : index
    %get3A_6 = arith.constant 0 : index
    %get3A_7 = vector.load %arg13[%get3A_4, %get3A_5, %get3A_6] : memref<1x128x256xf32, #tpu.memory_space<vmem>>, vector<1x128x256xf32>
    %get3A_8 = vector.shape_cast %get3A_7 : vector<1x128x256xf32> to vector<128x256xf32>
    %get3A_9 = arith.constant 0 : index
    %get3A_10 = arith.constant 0 : index
    %get3A_11 = vector.load %arg1[%get3A_9, %get3A_10] : memref<4x256xf32, #tpu.memory_space<vmem>>, vector<4x256xf32>
    %dot_general3A = arith.constant dense<0.000000e+00> : vector<128x256xf32>
    %dot_general3A_12 = tpu.matmul %get3A_3, %get3A_11, %dot_general3A {dimension_numbers = #tpu.dot_dimension_numbers<[1], [0], [0], [1], [0, 0, 1, 1], [], []>, transpose_lhs_hint = false} : vector<128x4xf32>, vector<4x256xf32>, vector<128x256xf32> -> vector<128x256xf32>
    %get3A_13 = arith.constant 0 : index
    %get3A_14 = arith.constant 0 : index
    %get3A_15 = vector.load %arg2[%get3A_13, %get3A_14] : memref<256x256xf32, #tpu.memory_space<vmem>>, vector<256x256xf32>
    %dot_general3A_16 = arith.constant dense<0.000000e+00> : vector<128x256xf32>
    %dot_general3A_17 = tpu.matmul %get3A_8, %get3A_15, %dot_general3A_16 {dimension_numbers = #tpu.dot_dimension_numbers<[1], [0], [0], [1], [0, 0, 1, 1], [], []>, transpose_lhs_hint = false} : vector<128x256xf32>, vector<256x256xf32>, vector<128x256xf32> -> vector<128x256xf32>
    %add3A = arith.addf %dot_general3A_12, %dot_general3A_17 : vector<128x256xf32>
    %get3A_18 = arith.constant 0 : index
    %get3A_19 = arith.constant 0 : index
    %get3A_20 = vector.load %arg3[%get3A_18, %get3A_19] : memref<1x256xf32, #tpu.memory_space<vmem>>, vector<1x256xf32>
    %add3A_21 = vector.broadcast %get3A_20 : vector<1x256xf32> to vector<128x256xf32>
    %add3A_22 = arith.addf %add3A, %add3A_21 : vector<128x256xf32>
    %max3A = arith.constant 0.000000e+00 : f32
    %max3A_23 = vector.broadcast %max3A : f32 to vector<128x256xf32>
    %max3A_24 = arith.maximumf %add3A_22, %max3A_23 : vector<128x256xf32>
    %get3A_25 = arith.constant 0 : index
    %get3A_26 = arith.constant 0 : index
    %get3A_27 = vector.load %arg4[%get3A_25, %get3A_26] : memref<256x512xf32, #tpu.memory_space<vmem>>, vector<256x512xf32>
    %dot_general3A_28 = arith.constant dense<0.000000e+00> : vector<128x512xf32>
    %dot_general3A_29 = tpu.matmul %max3A_24, %get3A_27, %dot_general3A_28 {dimension_numbers = #tpu.dot_dimension_numbers<[1], [0], [0], [1], [0, 0, 1, 1], [], []>, transpose_lhs_hint = false} : vector<128x256xf32>, vector<256x512xf32>, vector<128x512xf32> -> vector<128x512xf32>
    %get3A_30 = arith.constant 0 : index
    %get3A_31 = arith.constant 0 : index
    %get3A_32 = vector.load %arg5[%get3A_30, %get3A_31] : memref<1x512xf32, #tpu.memory_space<vmem>>, vector<1x512xf32>
    %add3A_33 = vector.broadcast %get3A_32 : vector<1x512xf32> to vector<128x512xf32>
    %add3A_34 = arith.addf %dot_general3A_29, %add3A_33 : vector<128x512xf32>
    %max3A_35 = arith.constant 0.000000e+00 : f32
    %max3A_36 = vector.broadcast %max3A_35 : f32 to vector<128x512xf32>
    %max3A_37 = arith.maximumf %add3A_34, %max3A_36 : vector<128x512xf32>
    %get3A_38 = arith.constant 0 : index
    %get3A_39 = arith.constant 0 : index
    %get3A_40 = vector.load %arg6[%get3A_38, %get3A_39] : memref<512x1024xf32, #tpu.memory_space<vmem>>, vector<512x1024xf32>
    %dot_general3A_41 = arith.constant dense<0.000000e+00> : vector<128x1024xf32>
    %dot_general3A_42 = tpu.matmul %max3A_37, %get3A_40, %dot_general3A_41 {dimension_numbers = #tpu.dot_dimension_numbers<[1], [0], [0], [1], [0, 0, 1, 1], [], []>, transpose_lhs_hint = false} : vector<128x512xf32>, vector<512x1024xf32>, vector<128x1024xf32> -> vector<128x1024xf32>
    %get3A_43 = arith.constant 0 : index
    %get3A_44 = arith.constant 0 : index
    %get3A_45 = vector.load %arg7[%get3A_43, %get3A_44] : memref<1x1024xf32, #tpu.memory_space<vmem>>, vector<1x1024xf32>
    %add3A_46 = vector.broadcast %get3A_45 : vector<1x1024xf32> to vector<128x1024xf32>
    %add3A_47 = arith.addf %dot_general3A_42, %add3A_46 : vector<128x1024xf32>
    %max3A_48 = arith.constant 0.000000e+00 : f32
    %max3A_49 = vector.broadcast %max3A_48 : f32 to vector<128x1024xf32>
    %max3A_50 = arith.maximumf %add3A_47, %max3A_49 : vector<128x1024xf32>
    %reduce_max3A = arith.constant dense<0xFF800000> : vector<1024xf32>
    %reduce_max3A_51 = vector.multi_reduction <maximumf>, %max3A_50, %reduce_max3A [0] : vector<128x1024xf32> to vector<1024xf32>
    %broadcast_in_dim3A = vector.shape_cast %reduce_max3A_51 : vector<1024xf32> to vector<1x1024xf32>
    %swap3A = arith.constant 0 : index
    %swap3A_52 = arith.constant 0 : index
    %swap3A_53 = arith.constant 0 : index
    %swap3A_54 = vector.load %arg14[%swap3A, %swap3A_52, %swap3A_53] : memref<1x1x1024xf32, #tpu.memory_space<vmem>>, vector<1x1x1024xf32>
    %swap3A_55 = vector.shape_cast %swap3A_54 : vector<1x1x1024xf32> to vector<1x1024xf32>
    %swap3A_56 = vector.shape_cast %broadcast_in_dim3A : vector<1x1024xf32> to vector<1x1x1024xf32>
    tpu.vector_store %arg14[%swap3A, %swap3A_52, %swap3A_53], %swap3A_56 {strides = array<i32>} : memref<1x1x1024xf32, #tpu.memory_space<vmem>>, vector<1x1x1024xf32>,
    %get3A_57 = arith.constant 0 : index
    %get3A_58 = arith.constant 0 : index
    %get3A_59 = vector.load %arg8[%get3A_57, %get3A_58] : memref<1024x512xf32, #tpu.memory_space<vmem>>, vector<1024x512xf32>
    %dot_general3A_60 = arith.constant dense<0.000000e+00> : vector<1x512xf32>
    %dot_general3A_61 = tpu.matmul %broadcast_in_dim3A, %get3A_59, %dot_general3A_60 {dimension_numbers = #tpu.dot_dimension_numbers<[1], [0], [0], [1], [0, 0, 1, 1], [], []>, transpose_lhs_hint = false} : vector<1x1024xf32>, vector<1024x512xf32>, vector<1x512xf32> -> vector<1x512xf32>
    %get3A_62 = arith.constant 0 : index
    %get3A_63 = arith.constant 0 : index
    %get3A_64 = vector.load %arg9[%get3A_62, %get3A_63] : memref<1x512xf32, #tpu.memory_space<vmem>>, vector<1x512xf32>
    %add3A_65 = arith.addf %dot_general3A_61, %get3A_64 : vector<1x512xf32>
    %max3A_66 = arith.constant 0.000000e+00 : f32
    %max3A_67 = vector.broadcast %max3A_66 : f32 to vector<1x512xf32>
    %max3A_68 = arith.maximumf %add3A_65, %max3A_67 : vector<1x512xf32>
    %get3A_69 = arith.constant 0 : index
    %get3A_70 = arith.constant 0 : index
    %get3A_71 = vector.load %arg10[%get3A_69, %get3A_70] : memref<512x256xf32, #tpu.memory_space<vmem>>, vector<512x256xf32>
    %dot_general3A_72 = arith.constant dense<0.000000e+00> : vector<1x256xf32>
    %dot_general3A_73 = tpu.matmul %max3A_68, %get3A_71, %dot_general3A_72 {dimension_numbers = #tpu.dot_dimension_numbers<[1], [0], [0], [1], [0, 0, 1, 1], [], []>, transpose_lhs_hint = false} : vector<1x512xf32>, vector<512x256xf32>, vector<1x256xf32> -> vector<1x256xf32>
    %get3A_74 = arith.constant 0 : index
    %get3A_75 = arith.constant 0 : index
    %get3A_76 = vector.load %arg11[%get3A_74, %get3A_75] : memref<1x256xf32, #tpu.memory_space<vmem>>, vector<1x256xf32>
    %add3A_77 = arith.addf %dot_general3A_73, %get3A_76 : vector<1x256xf32>
    %max3A_78 = arith.constant 0.000000e+00 : f32
    %max3A_79 = vector.broadcast %max3A_78 : f32 to vector<1x256xf32>
    %max3A_80 = arith.maximumf %add3A_77, %max3A_79 : vector<1x256xf32>
    %swap3A_81 = arith.constant 0 : index
    %swap3A_82 = arith.constant 0 : index
    %swap3A_83 = arith.constant 0 : index
    %swap3A_84 = vector.load %arg15[%swap3A_81, %swap3A_82, %swap3A_83] : memref<1x1x256xf32, #tpu.memory_space<vmem>>, vector<1x1x256xf32>
    %swap3A_85 = vector.shape_cast %swap3A_84 : vector<1x1x256xf32> to vector<1x256xf32>
    %swap3A_86 = vector.shape_cast %max3A_80 : vector<1x256xf32> to vector<1x1x256xf32>
    tpu.vector_store %arg15[%swap3A_81, %swap3A_82, %swap3A_83], %swap3A_86 {strides = array<i32>} : memref<1x1x256xf32, #tpu.memory_space<vmem>>, vector<1x1x256xf32>,
    return
  }
  func.func @transform_0(%arg0: i32) -> (i32, i32) {
    %c0_i32 = arith.constant 0 : i32
    %c0_i32_0 = arith.constant 0 : i32
    %c0_i32_1 = arith.constant 0 : i32
    return %c0_i32, %c0_i32_0 : i32, i32
  }
  func.func @transform_1(%arg0: i32) -> (i32, i32) {
    %c0_i32 = arith.constant 0 : i32
    %c0_i32_0 = arith.constant 0 : i32
    %c0_i32_1 = arith.constant 0 : i32
    return %c0_i32, %c0_i32_0 : i32, i32
  }
  func.func @transform_2(%arg0: i32) -> (i32, i32) {
    %c0_i32 = arith.constant 0 : i32
    %c0_i32_0 = arith.constant 0 : i32
    %c0_i32_1 = arith.constant 0 : i32
    return %c0_i32, %c0_i32_0 : i32, i32
  }
  func.func @transform_3(%arg0: i32) -> (i32, i32) {
    %c0_i32 = arith.constant 0 : i32
    %c0_i32_0 = arith.constant 0 : i32
    %c0_i32_1 = arith.constant 0 : i32
    return %c0_i32, %c0_i32_0 : i32, i32
  }
  func.func @transform_4(%arg0: i32) -> (i32, i32) {
    %c0_i32 = arith.constant 0 : i32
    %c0_i32_0 = arith.constant 0 : i32
    %c0_i32_1 = arith.constant 0 : i32
    return %c0_i32, %c0_i32_0 : i32, i32
  }
  func.func @transform_5(%arg0: i32) -> (i32, i32) {
    %c0_i32 = arith.constant 0 : i32
    %c0_i32_0 = arith.constant 0 : i32
    %c0_i32_1 = arith.constant 0 : i32
    return %c0_i32, %c0_i32_0 : i32, i32
  }
  func.func @transform_6(%arg0: i32) -> (i32, i32) {
    %c0_i32 = arith.constant 0 : i32
    %c0_i32_0 = arith.constant 0 : i32
    %c0_i32_1 = arith.constant 0 : i32
    return %c0_i32, %c0_i32_0 : i32, i32
  }
  func.func @transform_7(%arg0: i32) -> (i32, i32) {
    %c0_i32 = arith.constant 0 : i32
    %c0_i32_0 = arith.constant 0 : i32
    %c0_i32_1 = arith.constant 0 : i32
    return %c0_i32, %c0_i32_0 : i32, i32
  }
  func.func @transform_8(%arg0: i32) -> (i32, i32) {
    %c0_i32 = arith.constant 0 : i32
    %c0_i32_0 = arith.constant 0 : i32
    %c0_i32_1 = arith.constant 0 : i32
    return %c0_i32, %c0_i32_0 : i32, i32
  }
  func.func @transform_9(%arg0: i32) -> (i32, i32) {
    %c0_i32 = arith.constant 0 : i32
    %c0_i32_0 = arith.constant 0 : i32
    %c0_i32_1 = arith.constant 0 : i32
    return %c0_i32, %c0_i32_0 : i32, i32
  }
  func.func @transform_10(%arg0: i32) -> (i32, i32) {
    %c0_i32 = arith.constant 0 : i32
    %c0_i32_0 = arith.constant 0 : i32
    %c0_i32_1 = arith.constant 0 : i32
    return %c0_i32, %c0_i32_0 : i32, i32
  }
  func.func @transform_11(%arg0: i32) -> (i32, i32, i32) {
    %c0_i32 = arith.constant 0 : i32
    %c0_i32_0 = arith.constant 0 : i32
    %c0_i32_1 = arith.constant 0 : i32
    return %arg0, %c0_i32, %c0_i32_0 : i32, i32, i32
  }
  func.func @transform_12(%arg0: i32) -> (i32, i32, i32) {
    %c0_i32 = arith.constant 0 : i32
    %c0_i32_0 = arith.constant 0 : i32
    %c0_i32_1 = arith.constant 0 : i32
    return %arg0, %c0_i32, %c0_i32_0 : i32, i32, i32
  }
  func.func @transform_13(%arg0: i32) -> (i32, i32, i32) {
    %c0_i32 = arith.constant 0 : i32
    %c0_i32_0 = arith.constant 0 : i32
    %c0_i32_1 = arith.constant 0 : i32
    return %arg0, %c0_i32, %c0_i32_0 : i32, i32, i32
  }
  func.func @transform_14(%arg0: i32) -> (i32, i32, i32) {
    %c0_i32 = arith.constant 0 : i32
    %c0_i32_0 = arith.constant 0 : i32
    %c0_i32_1 = arith.constant 0 : i32
    return %arg0, %c0_i32, %c0_i32_0 : i32, i32, i32
  }
}

</mosaic_0001>

<sc_bundles>
// kernel: kernel.11.cloned.1.call-start
scs
__scs_entry_jumppad:
0x0: {  	(pc) =	sbr.rel $0x88, $3  }
0x1: {  	(tag) =	ssettag $0x0;
	lr =	simm.s32 $0x1  }
0x2: {  	[smem:$0x3F5E] =	sst lr;
	_ =	strace $0xD0000000  }
0x3: {  	_ = 	snop  }
0x4: {  	_ = 	snop  }
0x5: {  	_ = 	snop  }
0x6: {  	_ = 	snop  }
0x7: {  	_ = 	snop  }
__scs_overlays_trampoline_lowered:
0x8: {  	[smem:$0x3F6D] =	sst s0  }
0x9: {  	[smem:$0x3F6E] =	sst s1  }
0xa: {  	[smem:$0x3F6F] =	sst s2  }
0xb: {  	[smem:$0x3F70] =	sst s3  }
0xc: {  	[smem:$0x3F71] =	sst s4  }
0xd: {  	[smem:$0x3F72] =	sst s5  }
0xe: {  	[smem:$0x3F73] =	sst s6  }
0xf: {  	[smem:$0x3F74] =	sst s7  }
0x10: {  	[smem:$0x3F75] =	sst s8  }
0x11: {  	[smem:$0x3F76] =	sst s9;
	s0 =	simm.s32 @!p0 $0x0  }
0x12: {  	s1 =	sld [smem:$0x3F5C];
	s0 =	simm.s32 @p0 $0x1  }
0x13: {  	[smem:$0x3F77] =	sst s0;
	s0 =	simm.s32 @!p1 $0x0  }
0x14: {  	s2 =	sld [smem:$0x3F5B];
	s0 =	simm.s32 @p1 $0x1  }
0x15: {  	[smem:$0x3F78] =	sst s0;
	s0 =	simm.s32 @!p2 $0x0  }
0x16: {  	s3 =	sld [smem:$0x3FDB];
	s0 =	simm.s32 @p2 $0x1  }
0x17: {  	s4 =	simm.s32 $0x1BF5;
	[smem:$0x3F7A] =	sst s0  }
0x18: {  	s0 =	sld [smem:$0x3F5D];
	_ =	swait.ge [sflag:s4], $0x0  }
0x19: {  	s7 =	sld [smem:$0x3F5E]  }
0x1a: {  	s8 =	sadd.s32 $0xFFFFE003, lr  }
0x1b: {  	s9 =	sadd.s32 $0xFFFFFEF7, lr;
	s5 =	simm.s32 $0xFFFFFFFF;
	p2 =	slt.u32 s8, $0xFFFFF086  }
0x1c: {  	p1 =	slt.u32 s9, $0xF7A;
	s5 =	simm.s32 @!p2 $0x0  }
0x1d: {  	s5 =	simm.s32 @p1 $0x1;
	p0 =	seq.s32 s7, s2  }
0x1e: {  	s7 =	smul.u32 @!p0 $0xF7A, s2;
	p2 =	seq.s32 @!p0 s5, $0x0  }
0x1f: {  	s9 =	smul.u32 $0xF7A, s1;
	s8 =	simm.s32 @!p0 $0x1BF5;
	p2 =	por !p2, p0  }
0x20: {  	[sflag:s8] =	ssyncset.s32 @!p0 $0xFFFFF086;
	s6 =	sadd.s32 @!p0 s3, s7;
	s7 =	simm.s32 @!p0 $0x108  }
0x21: {  	s3 =	sadd.s32 s3, s9;
	s6 =	sadd.s32 @!p0 $0x88, s6;
	s7 =	simm.s32 @p2 $0x1082  }
0x22: {  	[simem:s7], [sflag:s8] =	dma.local @!p0 [hbm:s6], $0xF7A  }
0x23: {  	s9 =	sor.u32 $0xD0000000, s2;
	s6 =	simm.s32 $0x108;
	_ =	swait.ge @!p0 [sflag:s8], $0x0  }
0x24: {  	s3 =	sadd.s32 $0x88, s3;
	s6 =	simm.s32 @!p1 $0x1082;
	[sflag:s4] =	ssyncset.s32 $0xFFFFF086  }
0x25: {  	[simem:s6], [sflag:s4] =	dma.local [hbm:s3], $0xF7A  }
0x26: {  	[smem:$0x3F5E] =	sst s1;
	(tag) =	ssettag s2;
	_ =	strace s9  }
0x27: {  	s1 =	sld [smem:$0x3F6E]  }
0x28: {  	s2 =	sld [smem:$0x3F6F]  }
0x29: {  	s4 =	sld [smem:$0x3F71]  }
0x2a: {  	p0 =	seq.s32 s5, $0x0;
	s5 =	sld [smem:$0x3F72]  }
0x2b: {  	s6 =	sld [smem:$0x3F73]  }
0x2c: {  	s7 =	sld [smem:$0x3F74]  }
0x2d: {  	s3 =	simm.s32 $0x108;
	s8 =	sld [smem:$0x3F75]  }
0x2e: {  	s3 =	simm.s32 @!p0 $0x1082;
	s9 =	sld [smem:$0x3F76]  }
0x2f: {  	lr =	sadd.s32 s0, s3;
	s0 =	sld [smem:$0x3F6D]  }
0x30: {  	s3 =	sld [smem:$0x3F70]  }
0x31: {  	[smem:$0x3F79] =	sst s10  }
0x32: {  	s10 =	sld [smem:$0x3F77];
	_ =	sdelay $0x3  }
0x33: {  	p0 =	seq.s32 s10, $0x1;
	s10 =	sld [smem:$0x3F79];
	_ =	sdelay $0x3  }
0x34: {  	[smem:$0x3F79] =	sst s10  }
0x35: {  	s10 =	sld [smem:$0x3F78];
	_ =	sdelay $0x3  }
0x36: {  	p1 =	seq.s32 s10, $0x1;
	s10 =	sld [smem:$0x3F79];
	_ =	sdelay $0x3  }
0x37: {  	[smem:$0x3F79] =	sst s10  }
0x38: {  	s10 =	sld [smem:$0x3F7A]  }
0x39: {  	_ = 	snop;
	(pc) =	sbr.ind lr, $3  }
0x3a: {  	_ = 	snop  }
0x3b: {  	_ = 	snop  }
0x3c: {  	p2 =	seq.s32 s10, $0x1;
	s10 =	sld [smem:$0x3F79]  }
0x3d: {  	_ =	shalt  }
0x3e: {  	_ =	shalt  }
0x3f: {  	_ =	shalt  }
0x40: {  	_ =	shalt  }
0x41: {  	_ =	shalt  }
0x42: {  	_ =	shalt  }
0x43: {  	_ =	shalt  }
0x44: {  	_ =	shalt  }
0x45: {  	_ =	shalt  }
0x46: {  	_ =	shalt  }
0x47: {  	_ =	shalt  }
0x48: {  	_ =	shalt  }
0x49: {  	_ =	shalt  }
0x4a: {  	_ =	shalt  }
0x4b: {  	_ =	shalt  }
0x4c: {  	_ =	shalt  }
0x4d: {  	_ =	shalt  }
0x4e: {  	_ =	shalt  }
0x4f: {  	_ =	shalt  }
0x50: {  	_ =	shalt  }
0x51: {  	_ =	shalt  }
0x52: {  	_ =	shalt  }
0x53: {  	_ =	shalt  }
0x54: {  	_ =	shalt  }
0x55: {  	_ =	shalt  }
0x56: {  	_ =	shalt  }
0x57: {  	_ =	shalt  }
0x58: {  	_ =	shalt  }
0x59: {  	_ =	shalt  }
0x5a: {  	_ =	shalt  }
0x5b: {  	_ =	shalt  }
0x5c: {  	_ =	shalt  }
0x5d: {  	_ =	shalt  }
0x5e: {  	_ =	shalt  }
0x5f: {  	_ =	shalt  }
0x60: {  	_ =	shalt  }
0x61: {  	_ =	shalt  }
0x62: {  	_ =	shalt  }
0x63: {  	_ =	shalt  }
0x64: {  	_ =	shalt  }
0x65: {  	_ =	shalt  }
0x66: {  	_ =	shalt  }
0x67: {  	_ =	shalt  }
0x68: {  	_ =	shalt  }
0x69: {  	_ =	shalt  }
0x6a: {  	_ =	shalt  }
0x6b: {  	_ =	shalt  }
0x6c: {  	_ =	shalt  }
0x6d: {  	_ =	shalt  }
0x6e: {  	_ =	shalt  }
0x6f: {  	_ =	shalt  }
0x70: {  	_ =	shalt  }
0x71: {  	_ =	shalt  }
0x72: {  	_ =	shalt  }
0x73: {  	_ =	shalt  }
0x74: {  	_ =	shalt  }
0x75: {  	_ =	shalt  }
0x76: {  	_ =	shalt  }
0x77: {  	_ =	shalt  }
0x78: {  	_ =	shalt  }
0x79: {  	_ =	shalt  }
0x7a: {  	_ =	shalt  }
0x7b: {  	_ =	shalt  }
0x7c: {  	_ =	shalt  }
0x7d: {  	_ =	shalt  }
0x7e: {  	_ =	shalt  }
0x7f: {  	_ =	shalt  }
0x80: {  	_ =	shalt  }
0x81: {  	_ =	shalt  }
0x82: {  	_ =	shalt  }
0x83: {  	_ =	shalt  }
0x84: {  	_ =	shalt  }
0x85: {  	_ =	shalt  }
0x86: {  	_ =	shalt  }
0x87: {  	_ =	shalt  }
.Lfunc_end0:
.L_simem_size_0:
called_computation_lowered:
.L_overlay_start_0:
0x88: {  	s2 =	sld [smem:$0x3FD9]  }
0x89: {  	s3 =	sld [smem:$0x3FFE];
	_ =	sdelay $0x1  }
0x8a: {  	s1 =	srdreg.scid  }
0x8b: {  	s0 =	sand.u32 $0x1, s1  }
0x8c: {  	s14 =	sshll.u32 s0, $0xA;
	s2 =	sadd.s32 s3, s2  }
0x8d: {  	s2 =	sadd.s32 s2, s14  }
0x8e: {  	[smem:$0x3F85] =	sst s2  }
0x8f: {  	_ = 	snop  }
0x90: {  	s2 =	sld [smem:$0x3FD0];
	_ =	sdelay $0x2  }
0x91: {  	s15 =	simm.s32 $0xB;
	s4 =	simm.s32 $0x10  }
0x92: {  	[smem:s4], [sflag:s15] =	dma.local [hbm:s2], $0x1  }
0x93: {  	_ =	swait.eq [sflag:s15], $0x1  }
0x94: {  	[sflag:s15] =	ssyncset.done $0x0  }
0x95: {  	[sflag:s15] =	ssyncadd.s32 $0xFFFFFFFF  }
0x96: {  	s16 =	sld [smem:$0x11];
	(tm) =	ssettm $0x1  }
0x97: {  	s17 =	sld [smem:$0x3FFB];
	_ =	sdelay $0x3  }
0x98: {  	_ =	strace s17  }
0x99: {  	s3 =	sld [smem:$0x3FFC];
	_ =	sdelay $0x3  }
0x9a: {  	_ =	strace s3  }
0x9b: {  	s3 =	sld [smem:$0x3FFD];
	_ =	sdelay $0x3  }
0x9c: {  	_ =	strace s3  }
0x9d: {  	_ =	strace $0x8FFFFFFF  }
0x9e: {  	s18 =	sld [smem:$0x3FDB];
	_ =	sdelay $0x1  }
0x9f: {  	s19 =	simm.s32 $_scs_section_size  }
0xa0: {  	s5 =	simm.s32 $_size__tile_overlayer_lowered;
	s6 =	simm.s32 $_tile_overlayer_lowered  }
0xa1: {  	s22 =	simm.s32 $0x1BFF;
	s21 =	sshll.u32 s6, $0x1;
	s3 =	sadd.s32 s19, s18  }
0xa2: {  	s7 =	simm.s32 $0x0;
	s20 =	sshll.u32 s5, $0x1;
	s5 =	sadd.s32 s21, s3  }
0xa3: {  	[timem:s7], [sflag:s22] =	dma.local [hbm:s5], s20  }
0xa4: {  	_ =	swait.ge [sflag:s22], s20  }
0xa5: {  	s4 =	ssub.s32 $0x0, s20;
	[sflag:s22] =	ssyncset.done $0x0  }
0xa6: {  	[sflag:s22] =	ssyncadd.s32 s4;
	_ =	sdelay $0x1  }
0xa7: {  	s23 =	simm.s32 $0x1B8B  }
0xa8: {  	_ =	swait.ge [sflag:s23], $0x1  }
0xa9: {  	[sflag:s23] =	ssyncset.done $0x0  }
0xaa: {  	s25 =	simm.s32 $0x1B8E;
	s24 =	sld [smem:$0x3FFE];
	[sflag:s23] =	ssyncadd.s32 $0xFFFFFFFF  }
0xab: {  	s26 =	simm.s32 $execute0_lowered;
	[smem:$0x3FD2] =	sst s25  }
0xac: {  	s5 =	sshll.u32 s26, $0x1;
	_ =	strace $0x80000046;
	[dreg:$0x1] =	wrdreg $0xFFFFFFFF  }
0xad: {  	s28 =	simm.s32 $_size_execute0_lowered;
	s3 =	sadd.s32 s3, s5;
	[dreg:$0x0] =	wrdreg $0x0  }
0xae: {  	s5 =	sshll.u32 s28, $0x1;
	[dreg:$0x2] =	wrdreg s3  }
0xaf: {  	[dreg:$0x3] =	wrdreg s5  }
0xb0: {  	[dreg:$0x4] =	wrdreg $0xC0  }
0xb1: {  	_ =	task [dreg:s7], $0x5FFFF  }
0xb2: {  	[dreg:$0x1] =	wrdreg $0xFFFFFFFF  }
0xb3: {  	[dreg:$0x0] =	wrdreg $0x60  }
0xb4: {  	[dreg:$0x2] =	wrdreg s24  }
0xb5: {  	[dreg:$0x3] =	wrdreg s16  }
0xb6: {  	[dreg:$0x4] =	wrdreg $0x9  }
0xb7: {  	_ =	task.clear_ibuf [dreg:s7], $0x5FFFF;
	_ =	strace $0x90000046  }
0xb8: {  	s29 =	simm.s32 $0x9;
	_ =	strace $0x80000048  }
0xb9: {  	_ =	swait.ge [sflag:s29], $0x1  }
0xba: {  	[sflag:s29] =	ssyncadd.s32 $0xFFFFFFFF  }
0xbb: {  	_ =	strace $0x90000048  }
0xbc: {  	_ =	sfence  }
0xbd: {  	s30 =	sld [smem:$0x0];
	_ =	sdelay $0x2  }
0xbe: {  	s31 =	sshll.u32 s1, $0xD;
	s1 =	sshrl.u32 s1, $0x2  }
0xbf: {  	s3 =	sand.u32 $0x4000, s31;
	s1 =	sadd.s32 s1, s30  }
0xc0: {  	s0 =	sor.u32 s3, s0;
	s1 =	sshll.u32 s1, $0x11  }
0xc1: {  	s0 =	sor.u32 s1, s0  }
0xc2: {  	s0 =	sadd.s32 $0x8F2B, s0  }
0xc3: {  	[sflag:s0] =	ssyncadd.remote.s32 $0x1  }
0xc4: {  	_ =	sfence.sel $0xFFFF  }
0xc5: {  	[dreg:$0x0] =	wrdreg $0xFFFFFFFF;
	(pc) =	sbr.abs _section_cstart, $3  }
0xc6: {  	[dreg:$0x1] =	wrdreg $0xFFFFFFFF  }
0xc7: {  	_ =	task.clear_ibuf [dreg:s7], $0x2FFFF;
	_ =	strace $0x9FFFFFFF  }
0xc8: {  	(tm) =	ssettm $0x7FFFFFFF  }
0xc9: {  	_ =	shalt  }
tec
execute0_lowered:
.L_overlay_start_1:
0x0: {  	(tag) =	ssettag $0x1  }
0x1: {  	s1 =	srdreg.scid;
	s5 =	rddreg [dreg:$0x0]  }
0x2: {  	s0 =	stileid.u32;
	s9 =	rddreg [dreg:$0x1]  }
0x3: {  	s2 =	simm.s32 $0x0;
	s4 =	sand.u32 $0x1, s1;
	s25 =	sshll.u32 s0, $0x1  }
0x4: {  	s16 =	simm.s32 $0x1900;
	s17 =	simm.s32 $0x1A00;
	s3 =	sor.u32 s4, s25  }
0x5: {  	s18 =	simm.s32 $0x1B00;
	p1 =	seq.s32 s4, $0x1;
	p0 =	seq.s32 s3, $0x0  }
0x6: {  	s19 =	simm.s32 $0x9B00;
	s20 =	simm.s32 $0xBB00;
	p0 =	por !p0, !p1  }
0x7: {  	s1 =	simm.s32 $0x1;
	s4 =	ssub.s32 $0x2, s4;
	p0 =	por !p0, !p0  }
0x8: {  	s21 =	simm.s32 $0x0;
	s31 =	sshrl.u32 s4, $0x1;
	s1 =	simm.s32 @!p0 $0x0  }
0x9: {  	[smem:$0x7FF] =	sst s2;
	s15 =	ssub.s32 s4, s31;
	s6 =	ssub.s32 s0, s1  }
0xa: {  	s1 =	rddreg [dreg:$0x2];
	_ =	strace $0x80000047;
	s7 =	sshll.u32 s6, $0x1  }
0xb: {  	s26 =	sshll.u32 s6, $0x8;
	s10 =	sshll.u32 s6, $0x9;
	s6 =	sshll.u32 s6, $0x10  }
0xc: {  	s7 =	ssub.s32 s3, s7;
	s11 =	sand.u32 $0x1FFFFF00, s26;
	s3 =	simm.s32 $0x1  }
0xd: {  	s8 =	sshll.u32 s7, $0x8;
	s28 =	sadd.s32 s11, s5;
	s7 =	sshll.u32 s7, $0xF  }
0xe: {  	s8 =	sadd.s32 s10, s8;
	s6 =	sadd.s32 s6, s7;
	s4 =	sadd.s32 $0x8200, s28  }
0xf: {  	s29 =	sshrl.u32 s8, $0x3;
	s8 =	sshll.u32 s8, $0x4;
	s6 =	sshrl.u32 s6, $0x3  }
0x10: {  	s12 =	sadd.s32 s29, s5;
	s30 =	sand.u32 $0x1FFFF000, s8;
	s14 =	sadd.s32 s6, s5  }
0x11: {  	s6 =	sadd.s32 $0xA200, s28;
	s9 =	sadd.s32 s9, s29;
	s13 =	sadd.s32 s30, s5  }
0x12: {  	v0 =	vimm.f32 $0.0e+00;
	v1 =	vlaneseq.u32;
	s5 =	sadd.s32 $0x9200, s28;
	s7 =	sadd.s32 $0x7E00, s12;
	s8 =	sadd.s32 $0x7A00, s12  }
0x13: {  	v3 =	vimm.s32 $0x0;
	v2 =	vmul.u32 $0x20, v1;
	v4 =	vadd.s32 $0x1, v1;
	s11 =	sadd.s32 $0x2B200, s14;
	s12 =	smax.u32 s15, $0x1;
	s14 =	simm.s32 $0x1000  }
0x14: {  	v5 =	vadd.s32 $0x11, v1;
	v6 =	vor.u32 $0x10, v1;
	v7 =	vmul.u32 $0x4, v1;
	s15 =	simm.s32 $0x1800;
	s10 =	sadd.s32 $0xB200, s13;
	s13 =	simm.s32 $0x800  }
.LBB2_1:
0x15: {  	[tilespmem:s2], [sflag:$0x1] =	stream.linear.gather [hbm4b:s4+s2], $0x800, $0x38;
	[tilespmem:$0x13B00] =	vst v63  }
0x16: {  	_ =	swait.ge [sflag:s3], $0x800  }
0x17: {  	[sflag:s3] =	ssyncset.done $0x0  }
0x18: {  	[sflag:s3] =	ssyncadd.s32 $0xFFFFF800  }
0x19: {  	[tilespmem:s13], [sflag:$0x1] =	stream.linear.gather [hbm4b:s5+s2], $0x800, $0x38;
	[tilespmem:$0x13B00] =	vst v63  }
0x1a: {  	_ =	swait.ge [sflag:s3], $0x800  }
0x1b: {  	[sflag:s3] =	ssyncset.done $0x0  }
0x1c: {  	[sflag:s3] =	ssyncadd.s32 $0xFFFFF800  }
0x1d: {  	[tilespmem:s14], [sflag:$0x1] =	stream.linear.gather [hbm4b:s6+s2], $0x800, $0x38;
	[tilespmem:$0x13B00] =	vst v63  }
0x1e: {  	_ =	swait.ge [sflag:s3], $0x800  }
0x1f: {  	[sflag:s3] =	ssyncset.done $0x0  }
0x20: {  	[sflag:s3] =	ssyncadd.s32 $0xFFFFF800  }
0x21: {  	[tilespmem:s15], [sflag:$0x1] =	stream.linear.gather [hbm4b:s7+s2], $0x100, $0x38;
	[tilespmem:$0x13B00] =	vst v63  }
0x22: {  	_ =	swait.ge [sflag:s3], $0x100  }
0x23: {  	[sflag:s3] =	ssyncset.done $0x0  }
0x24: {  	[sflag:s3] =	ssyncadd.s32 $0xFFFFFF00  }
0x25: {  	[tilespmem:s16], [sflag:$0x1] =	stream.linear.gather [hbm4b:s8+s2], $0x100, $0x38;
	[tilespmem:$0x13B00] =	vst v63  }
0x26: {  	_ =	swait.ge [sflag:s3], $0x100  }
0x27: {  	[sflag:s3] =	ssyncset.done $0x0  }
0x28: {  	[sflag:s3] =	ssyncadd.s32 $0xFFFFFF00  }
0x29: {  	[tilespmem:s17], [sflag:$0x1] =	stream.linear.gather [hbm4b:s9+s2], $0x100, $0x38;
	[tilespmem:$0x13B00] =	vst v63  }
0x2a: {  	_ =	swait.ge [sflag:s3], $0x100  }
0x2b: {  	[sflag:s3] =	ssyncset.done $0x0  }
.Ltmp0:
0x2c: {  	[sflag:s3] =	ssyncadd.s32 $0xFFFFFF00;
	(pc) =	sbr.rel .LBB2_2-.Ltmp0, $4  }
0x2d: {  	[tilespmem:s18], [sflag:$0x1] =	stream.linear.gather [hbm4b:s10+s2], $0x8000, $0x38;
	[tilespmem:$0x13B00] =	vst v63  }
0x2e: {  	_ =	swait.ge [sflag:s3], $0x8000  }
0x2f: {  	[sflag:s3] =	ssyncset.done $0x0  }
0x30: {  	s23 =	simm.s32 $0x0;
	[sflag:s3] =	ssyncadd.s32 $0xFFFF8000  }
.LBB2_7:
0x31: {  	_ =	sdelay $0x1  }
0x32: {  	v9 =	vmov s22  }
0x33: {  	s22 =	simm.s32 $0x9B00;
	vm0 =	vlt.s32 v9, v4  }
0x34: {  	v11 =	vor.u32 v1, v8;
	s23 =	sadd.s32 $0x1, s23;
	v10 =	vld.idx.msk [tilespmem:v8+s22+$0x0], $0xffff;
	vm1 =	vlt.s32 v9, v5  }
0x35: {  	v8 =	vor.u32 v6, v8;
	p0 =	sne.s32 s23, $0x100  }
.Ltmp1:
0x36: {  	_ = 	snop;
	(pc) =	sbr.rel @!p0 .LBB2_8-.Ltmp1, $3  }
0x37: {  	_ =	sdelay $0x1  }
0x38: {  	[tilespmem:v11+s22+$0x0] =	vst.idx.msk vm0, v10  }
0x39: {  	[tilespmem:v8+s22+$0x0] =	vst.idx.msk vm1, v10  }
.LBB2_2:
.Ltmp2:
0x3a: {  	(pc) =	sbr.rel .LBB2_3-.Ltmp2, $4  }
0x3b: {  	s22 =	sshll.u32 s23, $0x7  }
0x3c: {  	s22 =	sand.u32 $0x3FFFFF80, s22  }
0x3d: {  	s24 =	sshll.u32 s23, $0x5;
	s22 =	sadd.s32 $0x1B00, s22  }
0x3e: {  	v8 =	vmov s24;
	s24 =	simm.s32 $0x0;
	v9 =	vmov s22;
	s22 =	simm.s32 $0x0  }
.LBB2_6:
0x3f: {  	(v2sf) =	vpush v11, $0xF;
	_ =	sdelay $0xe  }
0x40: {  	s25 =	spop (v2sf)  }
0x41: {  	p0 =	sgt.u32 s24, $0x2;
	s22 =	sadd.s32 s22, s25  }
0x42: {  	p1 =	slt.s32 @!p0 s22, $0x20  }
0x43: {  	p0 =	por p0, !p1  }
.Ltmp3:
0x44: {  	_ = 	snop;
	(pc) =	sbr.rel @p0 .LBB2_7-.Ltmp3, $2  }
0x45: {  	_ =	sdelay $0x2  }
0x46: {  	s24 =	sadd.s32 $0x1, s24  }
.LBB2_3:
0x47: {  	_ =	sdelay $0x2  }
0x48: {  	s25 =	sshll.u32 s24, $0x4  }
0x49: {  	v10 =	vld.idx.msk [tilespmem:v9+s25+$0x40 ss:$0x1], $0xffff  }
0x4a: {  	v11 =	vld.idx.msk [tilespmem:v9+s25+$0x0 ss:$0x1], $0xffff;
	_ =	sdelay $0x3  }
0x4b: {  	v10 =	vtrunc.f32 v10  }
0x4c: {  	v11 =	vtrunc.f32 v11;
	v10 =	vcvt.f32.s32 v10  }
0x4d: {  	v11 =	vcvt.f32.s32 v11  }
0x4e: {  	v10 =	vshll.u32 v10, $0x10  }
0x4f: {  	v10 =	vor.u32 v11, v10  }
0x50: {  	v12 =	vpcnt v10;
	vm0 =	vne.s32 v10, $0x0  }
0x51: {  	(xrf0) =	vadd.scan.msk.s32 $0xffff, v12;
	v11 =	vsel vm0, $0x3F800000, v0  }
0x52: {  	(xrf0) =	vmax.scan.msk.f32 $0xffff, v11;
	_ =	sdelay $0x4  }
0x53: {  	v11, _, _ =	vpop (xrf0)  }
0x54: {  	v13, _, _ =	vpop (xrf0)  }
0x55: {  	(v2sf) =	vpush v13, $0xF;
	_ =	sdelay $0xe  }
0x56: {  	s26 =	spop (v2sf)  }
0x57: {  	p0 =	sgt.f32 s26, $0.0e+00  }
.Ltmp4:
0x58: {  	_ = 	snop;
	(pc) =	sbr.rel @!p0 .LBB2_6-.Ltmp4, $1  }
0x59: {  	_ =	sdelay $0x3  }
0x5a: {  	v13 =	vmov s25  }
0x5b: {  	v12 =	vsub.s32 s22, v12;
	v13 =	vshll.u32 v13, $0x5  }
0x5c: {  	v12 =	vadd.s32 v11, v12;
	v14 =	vor.u32 v2, v13  }
0x5d: {  	v15 =	vimm.s32 $0x0;
	v13 =	vadd.s32 v8, v12;
	v14 =	vadd.s32 $0xFFFFFF81, v14  }
.LBB2_5:
0x5e: {  	v17 =	vadd.s32 v15, v12  }
0x5f: {  	v16 =	vsub.s32 $0x0, v10;
	vm1 =	vlt.s32 v17, $0x20;
	v17 =	vadd.s32 $0xFFFFFFFF, v10  }
0x60: {  	v16 =	vand.u32 v16, v10;
	v10 =	vand.u32 v10, v17  }
0x61: {  	vm1 =	vmand vm0, vm1;
	v17 =	vsel vm0, $0x1, v3;
	vm0 =	vne.s32 v10, $0x0  }
0x62: {  	v18 =	vsel vm0, $0x3F800000, v0  }
0x63: {  	(xrf0) =	vmax.scan.msk.f32 $0xffff, v18;
	_ =	sdelay $0x5  }
0x64: {  	v18, _, _ =	vpop (xrf0)  }
0x65: {  	(v2sf) =	vpush v18, $0xF;
	_ =	sdelay $0xe  }
0x66: {  	s25 =	spop (v2sf)  }
0x67: {  	v63 =	vadd.s32 v13, v15;
	v16 =	vcvt.s32.f32 v16;
	p0 =	sgt.f32 s25, $0.0e+00  }
.Ltmp5:
0x68: {  	_ = 	snop;
	(pc) =	sbr.rel @p0 .LBB2_5-.Ltmp5, $4  }
0x69: {  	v16 =	vshrl.u32 v16, $0x17  }
0x6a: {  	v16 =	vand.u32 $0xFF, v16  }
0x6b: {  	v16 =	vadd.s32 v16, v14  }
0x6c: {  	v15 =	vadd.s32 v17, v15;
	[tilespmem:v63+s19+$0x0] =	vst.idx.msk vm1, v16  }
.Ltmp6:
0x6d: {  	_ = 	snop;
	(pc) =	sbr.rel .LBB2_6-.Ltmp6, $1  }
0x6e: {  	_ =	sdelay $0x3  }
.LBB2_8:
0x6f: {  	s23 =	simm.s32 $0x0;
	v8 =	vld [tilespmem:s22+$0x0]  }
0x70: {  	v9 =	vmov s23  }
0x71: {  	v10 =	vshrl.u32 v9, $0x5;
	_ =	sdelay $0x4  }
0x72: {  	v11 =	vld.idx.msk [tilespmem:v10+s15+$0x0], $0xffff  }
0x73: {  	v12 =	vld.idx.msk [tilespmem:v8+s2+$0x0], $0xffff  }
0x74: {  	v9 =	vshll.u32 v9, $0x2  }
0x75: {  	v13 =	vor.u32 v7, v9;
	_ =	sdelay $0x2  }
0x76: {  	v9 =	vsub.f32 v12, v11;
	_ =	sdelay $0x1  }
0x77: {  	[tilespmem:v13+s20+$0x0] =	vst.idx.msk $0xffff, v9  }
0x78: {  	v9 =	vld.idx.msk [tilespmem:v8+s13+$0x0], $0xffff  }
0x79: {  	v11 =	vld.idx.msk [tilespmem:v10+s16+$0x0], $0xffff;
	_ =	sdelay $0x1  }
0x7a: {  	v63 =	vor.u32 $0x1, v13;
	_ =	sdelay $0x2  }
0x7b: {  	v9 =	vsub.f32 v9, v11;
	_ =	sdelay $0x1  }
0x7c: {  	[tilespmem:v63+s20+$0x0] =	vst.idx.msk $0xffff, v9  }
0x7d: {  	v8 =	vld.idx.msk [tilespmem:v8+s14+$0x0], $0xffff  }
0x7e: {  	v11 =	vld.idx.msk [tilespmem:v10+s17+$0x0], $0xffff;
	_ =	sdelay $0x1  }
0x7f: {  	v9 =	vor.u32 $0x2, v13  }
0x80: {  	s23 =	simm.s32 $0x10;
	v10 =	vor.u32 $0x3, v13  }
.LBB2_9:
0x81: {  	p0 =	sne.s32 s23, $0x1FF0  }
0x82: {  	s22 =	sadd.s32 $0x10, s22;
	s24 =	smov.u32 s23;
	s23 =	sadd.s32 $0x10, s23;
	v8 =	vsub.f32 v8, v11  }
0x83: {  	_ = 	snop  }
0x84: {  	[tilespmem:v9+s20+$0x0] =	vst.idx.msk $0xffff, v8  }
0x85: {  	[tilespmem:v10+s20+$0x0] =	vst.idx.msk $0xffff, v0  }
0x86: {  	v8 =	vld [tilespmem:s22+$0x0]  }
0x87: {  	v9 =	vmov s24  }
0x88: {  	v10 =	vshll.u32 v9, $0x2;
	v9 =	vshrl.u32 v9, $0x5;
	_ =	sdelay $0x4  }
0x89: {  	v11 =	vld.idx.msk [tilespmem:v9+s15+$0x0], $0xffff  }
0x8a: {  	v12 =	vld.idx.msk [tilespmem:v8+s2+$0x0], $0xffff;
	_ =	sdelay $0x2  }
0x8b: {  	v10 =	vor.u32 v7, v10;
	_ =	sdelay $0x2  }
0x8c: {  	v11 =	vsub.f32 v12, v11;
	_ =	sdelay $0x1  }
0x8d: {  	[tilespmem:v10+s20+$0x0] =	vst.idx.msk $0xffff, v11  }
0x8e: {  	v11 =	vld.idx.msk [tilespmem:v8+s13+$0x0], $0xffff  }
0x8f: {  	v12 =	vld.idx.msk [tilespmem:v9+s16+$0x0], $0xffff;
	_ =	sdelay $0x2  }
0x90: {  	v13 =	vor.u32 $0x1, v10;
	_ =	sdelay $0x2  }
0x91: {  	v11 =	vsub.f32 v11, v12;
	_ =	sdelay $0x1  }
0x92: {  	[tilespmem:v13+s20+$0x0] =	vst.idx.msk $0xffff, v11  }
.Ltmp7:
0x93: {  	v8 =	vld.idx.msk [tilespmem:v8+s14+$0x0], $0xffff;
	(pc) =	sbr.rel @p0 .LBB2_9-.Ltmp7, $3  }
0x94: {  	v11 =	vld.idx.msk [tilespmem:v9+s17+$0x0], $0xffff;
	_ =	sdelay $0x1  }
0x95: {  	v9 =	vor.u32 $0x2, v10  }
0x96: {  	v10 =	vor.u32 $0x3, v10  }
0x97: {  	_ =	sdelay $0x1  }
0x98: {  	v8 =	vsub.f32 v8, v11  }
0x99: {  	s21 =	sadd.s32 $0x1, s21  }
0x9a: {  	p0 =	sne.s32 s21, s12;
	[tilespmem:v9+s20+$0x0] =	vst.idx.msk $0xffff, v8  }
.Ltmp8:
0x9b: {  	[tilespmem:v10+s20+$0x0] =	vst.idx.msk $0xffff, v0;
	(pc) =	sbr.rel @p0 .LBB2_1-.Ltmp8, $4  }
0x9c: {  	[hbm4b:s11+s2] =	stream.linear.scatter [tilespmem:s20], [sflag:$0x1], $0x8000, $0x38;
	[tilespmem:$0x13B00] =	vst v63  }
0x9d: {  	_ =	swait.ge [sflag:s3], $0x8000  }
0x9e: {  	[sflag:s3] =	ssyncset.done $0x0  }
0x9f: {  	[sflag:s3] =	ssyncadd.s32 $0xFFFF8000  }
0xa0: {  	_ =	sfence.sel $0x180000  }
0xa1: {  	[bflag:$0x0] =	sbarrier.arrive $0xFFFF  }
0xa2: {  	p0 =	sne.s32 s0, $0x0;
	_ =	strace $0x90000047  }
0xa3: {  	s0 =	sadd.s32 @!p0 $0x100000, s1;
	[bflag:$0x2] =	sbarrier.arrive $0xFFFF  }
0xa4: {  	[sflag:s0] =	ssyncadd.tile.s32 @!p0 $0x1;
	_ =	shalt  }
.Lfunc_end2:
_tile_overlayer_lowered:
.L_overlay_start_2:
0xa5: {  	(tag) =	ssettag $0x2  }
0xa6: {  	s0 =	rddreg [dreg:$0x0];
	s2 =	stileid.u32  }
0xa7: {  	s1 =	rddreg [dreg:$0x1];
	p0 =	sne.s32 s2, $0x0  }
0xa8: {  	s3 =	rddreg [dreg:$0x2];
	[bflag:$0x3] =	sbarrier.arrive $0xFFFF;
	s2 =	simm.s32 @!p0 $0x1C01  }
0xa9: {  	[timem:s3], [sflag:s2] =	dma.local @!p0 [hbm:s0], s1  }
0xaa: {  	s0 =	simm.s32 @!p0 $0x1  }
0xab: {  	_ =	swait.ge @!p0 [sflag:s0], s1  }
0xac: {  	s1 =	ssub.s32 @!p0 $0x0, s1;
	[sflag:s0] =	ssyncset.done @!p0 $0x0  }
0xad: {  	[sflag:s0] =	ssyncadd.s32 @!p0 s1  }
0xae: {  	[bflag:$0x3] =	sbarrier.arrive $0xFFFF  }
0xaf: {  	_ =	shalt  }

// kernel: kernel.14.cloned.1.call-start
scs
__scs_entry_jumppad:
0x0: {  	(pc) =	sbr.rel $0x88, $3  }
0x1: {  	(tag) =	ssettag $0x0;
	lr =	simm.s32 $0x1  }
0x2: {  	[smem:$0x3F5E] =	sst lr;
	_ =	strace $0xD0000000  }
0x3: {  	_ = 	snop  }
0x4: {  	_ = 	snop  }
0x5: {  	_ = 	snop  }
0x6: {  	_ = 	snop  }
0x7: {  	_ = 	snop  }
__scs_overlays_trampoline_lowered:
0x8: {  	[smem:$0x3F6D] =	sst s0  }
0x9: {  	[smem:$0x3F6E] =	sst s1  }
0xa: {  	[smem:$0x3F6F] =	sst s2  }
0xb: {  	[smem:$0x3F70] =	sst s3  }
0xc: {  	[smem:$0x3F71] =	sst s4  }
0xd: {  	[smem:$0x3F72] =	sst s5  }
0xe: {  	[smem:$0x3F73] =	sst s6  }
0xf: {  	[smem:$0x3F74] =	sst s7  }
0x10: {  	[smem:$0x3F75] =	sst s8  }
0x11: {  	[smem:$0x3F76] =	sst s9;
	s0 =	simm.s32 @!p0 $0x0  }
0x12: {  	s1 =	sld [smem:$0x3F5C];
	s0 =	simm.s32 @p0 $0x1  }
0x13: {  	[smem:$0x3F77] =	sst s0;
	s0 =	simm.s32 @!p1 $0x0  }
0x14: {  	s2 =	sld [smem:$0x3F5B];
	s0 =	simm.s32 @p1 $0x1  }
0x15: {  	[smem:$0x3F78] =	sst s0;
	s0 =	simm.s32 @!p2 $0x0  }
0x16: {  	s3 =	sld [smem:$0x3FDB];
	s0 =	simm.s32 @p2 $0x1  }
0x17: {  	s4 =	simm.s32 $0x1BF5;
	[smem:$0x3F7A] =	sst s0  }
0x18: {  	s0 =	sld [smem:$0x3F5D];
	_ =	swait.ge [sflag:s4], $0x0  }
0x19: {  	s7 =	sld [smem:$0x3F5E]  }
0x1a: {  	s8 =	sadd.s32 $0xFFFFE003, lr  }
0x1b: {  	s9 =	sadd.s32 $0xFFFFFEF7, lr;
	s5 =	simm.s32 $0xFFFFFFFF;
	p2 =	slt.u32 s8, $0xFFFFF086  }
0x1c: {  	p1 =	slt.u32 s9, $0xF7A;
	s5 =	simm.s32 @!p2 $0x0  }
0x1d: {  	s5 =	simm.s32 @p1 $0x1;
	p0 =	seq.s32 s7, s2  }
0x1e: {  	s7 =	smul.u32 @!p0 $0xF7A, s2;
	p2 =	seq.s32 @!p0 s5, $0x0  }
0x1f: {  	s9 =	smul.u32 $0xF7A, s1;
	s8 =	simm.s32 @!p0 $0x1BF5;
	p2 =	por !p2, p0  }
0x20: {  	[sflag:s8] =	ssyncset.s32 @!p0 $0xFFFFF086;
	s6 =	sadd.s32 @!p0 s3, s7;
	s7 =	simm.s32 @!p0 $0x108  }
0x21: {  	s3 =	sadd.s32 s3, s9;
	s6 =	sadd.s32 @!p0 $0x88, s6;
	s7 =	simm.s32 @p2 $0x1082  }
0x22: {  	[simem:s7], [sflag:s8] =	dma.local @!p0 [hbm:s6], $0xF7A  }
0x23: {  	s9 =	sor.u32 $0xD0000000, s2;
	s6 =	simm.s32 $0x108;
	_ =	swait.ge @!p0 [sflag:s8], $0x0  }
0x24: {  	s3 =	sadd.s32 $0x88, s3;
	s6 =	simm.s32 @!p1 $0x1082;
	[sflag:s4] =	ssyncset.s32 $0xFFFFF086  }
0x25: {  	[simem:s6], [sflag:s4] =	dma.local [hbm:s3], $0xF7A  }
0x26: {  	[smem:$0x3F5E] =	sst s1;
	(tag) =	ssettag s2;
	_ =	strace s9  }
0x27: {  	s1 =	sld [smem:$0x3F6E]  }
0x28: {  	s2 =	sld [smem:$0x3F6F]  }
0x29: {  	s4 =	sld [smem:$0x3F71]  }
0x2a: {  	p0 =	seq.s32 s5, $0x0;
	s5 =	sld [smem:$0x3F72]  }
0x2b: {  	s6 =	sld [smem:$0x3F73]  }
0x2c: {  	s7 =	sld [smem:$0x3F74]  }
0x2d: {  	s3 =	simm.s32 $0x108;
	s8 =	sld [smem:$0x3F75]  }
0x2e: {  	s3 =	simm.s32 @!p0 $0x1082;
	s9 =	sld [smem:$0x3F76]  }
0x2f: {  	lr =	sadd.s32 s0, s3;
	s0 =	sld [smem:$0x3F6D]  }
0x30: {  	s3 =	sld [smem:$0x3F70]  }
0x31: {  	[smem:$0x3F79] =	sst s10  }
0x32: {  	s10 =	sld [smem:$0x3F77];
	_ =	sdelay $0x3  }
0x33: {  	p0 =	seq.s32 s10, $0x1;
	s10 =	sld [smem:$0x3F79];
	_ =	sdelay $0x3  }
0x34: {  	[smem:$0x3F79] =	sst s10  }
0x35: {  	s10 =	sld [smem:$0x3F78];
	_ =	sdelay $0x3  }
0x36: {  	p1 =	seq.s32 s10, $0x1;
	s10 =	sld [smem:$0x3F79];
	_ =	sdelay $0x3  }
0x37: {  	[smem:$0x3F79] =	sst s10  }
0x38: {  	s10 =	sld [smem:$0x3F7A]  }
0x39: {  	_ = 	snop;
	(pc) =	sbr.ind lr, $3  }
0x3a: {  	_ = 	snop  }
0x3b: {  	_ = 	snop  }
0x3c: {  	p2 =	seq.s32 s10, $0x1;
	s10 =	sld [smem:$0x3F79]  }
0x3d: {  	_ =	shalt  }
0x3e: {  	_ =	shalt  }
0x3f: {  	_ =	shalt  }
0x40: {  	_ =	shalt  }
0x41: {  	_ =	shalt  }
0x42: {  	_ =	shalt  }
0x43: {  	_ =	shalt  }
0x44: {  	_ =	shalt  }
0x45: {  	_ =	shalt  }
0x46: {  	_ =	shalt  }
0x47: {  	_ =	shalt  }
0x48: {  	_ =	shalt  }
0x49: {  	_ =	shalt  }
0x4a: {  	_ =	shalt  }
0x4b: {  	_ =	shalt  }
0x4c: {  	_ =	shalt  }
0x4d: {  	_ =	shalt  }
0x4e: {  	_ =	shalt  }
0x4f: {  	_ =	shalt  }
0x50: {  	_ =	shalt  }
0x51: {  	_ =	shalt  }
0x52: {  	_ =	shalt  }
0x53: {  	_ =	shalt  }
0x54: {  	_ =	shalt  }
0x55: {  	_ =	shalt  }
0x56: {  	_ =	shalt  }
0x57: {  	_ =	shalt  }
0x58: {  	_ =	shalt  }
0x59: {  	_ =	shalt  }
0x5a: {  	_ =	shalt  }
0x5b: {  	_ =	shalt  }
0x5c: {  	_ =	shalt  }
0x5d: {  	_ =	shalt  }
0x5e: {  	_ =	shalt  }
0x5f: {  	_ =	shalt  }
0x60: {  	_ =	shalt  }
0x61: {  	_ =	shalt  }
0x62: {  	_ =	shalt  }
0x63: {  	_ =	shalt  }
0x64: {  	_ =	shalt  }
0x65: {  	_ =	shalt  }
0x66: {  	_ =	shalt  }
0x67: {  	_ =	shalt  }
0x68: {  	_ =	shalt  }
0x69: {  	_ =	shalt  }
0x6a: {  	_ =	shalt  }
0x6b: {  	_ =	shalt  }
0x6c: {  	_ =	shalt  }
0x6d: {  	_ =	shalt  }
0x6e: {  	_ =	shalt  }
0x6f: {  	_ =	shalt  }
0x70: {  	_ =	shalt  }
0x71: {  	_ =	shalt  }
0x72: {  	_ =	shalt  }
0x73: {  	_ =	shalt  }
0x74: {  	_ =	shalt  }
0x75: {  	_ =	shalt  }
0x76: {  	_ =	shalt  }
0x77: {  	_ =	shalt  }
0x78: {  	_ =	shalt  }
0x79: {  	_ =	shalt  }
0x7a: {  	_ =	shalt  }
0x7b: {  	_ =	shalt  }
0x7c: {  	_ =	shalt  }
0x7d: {  	_ =	shalt  }
0x7e: {  	_ =	shalt  }
0x7f: {  	_ =	shalt  }
0x80: {  	_ =	shalt  }
0x81: {  	_ =	shalt  }
0x82: {  	_ =	shalt  }
0x83: {  	_ =	shalt  }
0x84: {  	_ =	shalt  }
0x85: {  	_ =	shalt  }
0x86: {  	_ =	shalt  }
0x87: {  	_ =	shalt  }
.Lfunc_end0:
.L_simem_size_0:
called_computation.1_lowered:
.L_overlay_start_0:
0x88: {  	s2 =	sld [smem:$0x3FD9]  }
0x89: {  	s3 =	sld [smem:$0x3FFE];
	_ =	sdelay $0x1  }
0x8a: {  	s1 =	srdreg.scid  }
0x8b: {  	s0 =	sand.u32 $0x1, s1  }
0x8c: {  	s17 =	sshll.u32 s0, $0xA;
	s2 =	sadd.s32 s3, s2  }
0x8d: {  	s2 =	sadd.s32 s2, s17  }
0x8e: {  	[smem:$0x3F85] =	sst s2  }
0x8f: {  	_ = 	snop  }
0x90: {  	(tm) =	ssettm $0x1  }
0x91: {  	s18 =	sld [smem:$0x3FFB];
	_ =	sdelay $0x3  }
0x92: {  	_ =	strace s18  }
0x93: {  	s2 =	sld [smem:$0x3FFC];
	_ =	sdelay $0x3  }
0x94: {  	_ =	strace s2  }
0x95: {  	s2 =	sld [smem:$0x3FFD];
	_ =	sdelay $0x3  }
0x96: {  	_ =	strace s2  }
0x97: {  	_ =	strace $0x8FFFFFFF  }
0x98: {  	s19 =	sld [smem:$0x3FDB];
	_ =	sdelay $0x1  }
0x99: {  	s20 =	simm.s32 $_scs_section_size  }
0x9a: {  	s4 =	simm.s32 $_size__tile_overlayer_lowered;
	s5 =	simm.s32 $_tile_overlayer_lowered  }
0x9b: {  	s6 =	simm.s32 $0x1BFF;
	s21 =	sshll.u32 s5, $0x1;
	s3 =	sadd.s32 s20, s19  }
0x9c: {  	s22 =	simm.s32 $0x0;
	s4 =	sshll.u32 s4, $0x1;
	s5 =	sadd.s32 s21, s3  }
0x9d: {  	[timem:s22], [sflag:s6] =	dma.local [hbm:s5], s4  }
0x9e: {  	_ =	swait.ge [sflag:s6], s4  }
0x9f: {  	s4 =	ssub.s32 $0x0, s4;
	[sflag:s6] =	ssyncset.done $0x0  }
0xa0: {  	[sflag:s6] =	ssyncadd.s32 s4;
	_ =	sdelay $0x1  }
0xa1: {  	s23 =	simm.s32 $0x1B8B  }
0xa2: {  	_ =	swait.ge [sflag:s23], $0x1  }
0xa3: {  	[sflag:s23] =	ssyncset.done $0x0  }
0xa4: {  	[sflag:s23] =	ssyncadd.s32 $0xFFFFFFFF  }
0xa5: {  	s4 =	sld [smem:$0x0]  }
0xa6: {  	s5 =	sand.u32 $0xFFFFFFFE, s1  }
0xa7: {  	p0 =	sne.s32 s1, s5  }
0xa8: {  	s5 =	sshll.u32 @p0 s5, $0xE  }
0xa9: {  	s5 =	sadd.s32 @p0 $0x11B8D, s5;
	s6 =	sshll.u32 @p0 s4, $0x11  }
0xaa: {  	s5 =	sor.u32 @p0 s6, s5  }
0xab: {  	[sflag:s5] =	ssyncadd.remote.s32 @p0 $0x1;
	_ =	sdelay $0x1  }
0xac: {  	s5 =	simm.s32 @p0 $0x1B8D  }
0xad: {  	_ =	swait.eq @p0 [sflag:s5], $0x1  }
0xae: {  	[sflag:s5] =	ssyncadd.s32 @p0 $0xFFFFFFFF  }
0xaf: {  	s6 =	sshll.u32 @!p0 s1, $0xE  }
0xb0: {  	s6 =	sor.u32 @!p0 $0x4000, s6;
	s5 =	simm.s32 @!p0 $0x1B8D  }
0xb1: {  	s4 =	sshll.u32 @!p0 s4, $0x11;
	s6 =	sadd.s32 @!p0 $0x11B8D, s6;
	_ =	swait.eq @!p0 [sflag:s5], $0x1  }
0xb2: {  	s4 =	sor.u32 @!p0 s4, s6;
	[sflag:s5] =	ssyncadd.s32 @!p0 $0xFFFFFFFF  }
0xb3: {  	s25 =	simm.s32 $0x1B8E;
	s24 =	sld [smem:$0x3FFE];
	[sflag:s4] =	ssyncadd.remote.s32 @!p0 $0x1  }
0xb4: {  	s26 =	simm.s32 $execute0_lowered;
	[smem:$0x3FD2] =	sst s25  }
0xb5: {  	s5 =	sshll.u32 s26, $0x1;
	_ =	strace $0x80000049;
	[dreg:$0x1] =	wrdreg $0xFFFFFFFF  }
0xb6: {  	s28 =	simm.s32 $_size_execute0_lowered;
	s3 =	sadd.s32 s3, s5;
	[dreg:$0x0] =	wrdreg $0x0  }
0xb7: {  	s5 =	sshll.u32 s28, $0x1;
	[dreg:$0x2] =	wrdreg s3  }
0xb8: {  	[dreg:$0x3] =	wrdreg s5  }
0xb9: {  	[dreg:$0x4] =	wrdreg $0xC0  }
0xba: {  	_ =	task [dreg:s22], $0x5FFFF  }
0xbb: {  	[dreg:$0x1] =	wrdreg $0xFFFFFFFF  }
0xbc: {  	[dreg:$0x0] =	wrdreg $0x60  }
0xbd: {  	[dreg:$0x2] =	wrdreg s24  }
0xbe: {  	[dreg:$0x3] =	wrdreg $0xA  }
0xbf: {  	_ =	task.clear_ibuf [dreg:s22], $0x4FFFF;
	_ =	strace $0x90000049  }
0xc0: {  	s29 =	simm.s32 $0xA;
	_ =	strace $0x8000004B  }
0xc1: {  	_ =	swait.ge [sflag:s29], $0x1  }
0xc2: {  	[sflag:s29] =	ssyncadd.s32 $0xFFFFFFFF  }
0xc3: {  	_ =	strace $0x9000004B  }
0xc4: {  	_ =	sfence  }
0xc5: {  	s30 =	sld [smem:$0x0];
	_ =	sdelay $0x2  }
0xc6: {  	s31 =	sshll.u32 s1, $0xD;
	s1 =	sshrl.u32 s1, $0x2  }
0xc7: {  	s4 =	sand.u32 $0x4000, s31;
	s1 =	sadd.s32 s1, s30  }
0xc8: {  	s0 =	sor.u32 s4, s0;
	s1 =	sshll.u32 s1, $0x11  }
0xc9: {  	s0 =	sor.u32 s1, s0  }
0xca: {  	s0 =	sadd.s32 $0x8F2B, s0  }
0xcb: {  	[sflag:s0] =	ssyncadd.remote.s32 $0x1  }
0xcc: {  	_ =	sfence.sel $0xFFFF  }
0xcd: {  	[dreg:$0x0] =	wrdreg $0xFFFFFFFF;
	(pc) =	sbr.abs _section_cstart, $3  }
0xce: {  	[dreg:$0x1] =	wrdreg $0xFFFFFFFF  }
0xcf: {  	_ =	task.clear_ibuf [dreg:s22], $0x2FFFF;
	_ =	strace $0x9FFFFFFF  }
0xd0: {  	(tm) =	ssettm $0x7FFFFFFF  }
0xd1: {  	_ =	shalt  }
tec
execute0_lowered:
.L_overlay_start_1:
0x0: {  	(tag) =	ssettag $0x1  }
0x1: {  	s3 =	rddreg [dreg:$0x0]  }
0x2: {  	s0 =	rddreg [dreg:$0x1];
	s2 =	simm.s32 $0x0  }
0x3: {  	s4 =	srdreg.scid;
	s1 =	stileid.u32;
	s8 =	simm.s32 $0x0  }
0x4: {  	[smem:$0x7FF] =	sst s2;
	s4 =	sand.u32 $0x1, s4;
	s5 =	sshll.u32 s1, $0x1  }
.Ltmp0:
0x5: {  	_ =	strace $0x8000004A;
	s5 =	sor.u32 s4, s5;
	(pc) =	sbr.rel .LBB2_1-.Ltmp0, $4  }
0x6: {  	v0 =	vlaneseq.u32;
	v1 =	vimm.f32 $0.0e+00;
	v3 =	vimm.s32 $0x0;
	s4 =	ssub.s32 $0x2, s4;
	s6 =	sshll.u32 s5, $0x8;
	s5 =	sshll.u32 s5, $0x9  }
0x7: {  	v2 =	vmul.u32 $0x20, v0;
	v4 =	vadd.s32 $0x1, v0;
	v5 =	vor.u32 $0x10, v0;
	s7 =	sshrl.u32 s4, $0x1;
	s6 =	sadd.s32 s6, s3;
	s5 =	sadd.s32 s5, s3  }
0x8: {  	v6 =	vadd.s32 $0x11, v0;
	v7 =	vor.u32 $0x20, v0;
	v8 =	vadd.s32 $0x21, v0;
	s7 =	ssub.s32 s4, s7;
	s3 =	sadd.s32 $0x4B200, s6;
	s4 =	sadd.s32 $0x4D200, s5  }
0x9: {  	v9 =	vadd.s32 $0x31, v0;
	v10 =	vor.u32 $0x30, v0;
	v2 =	vadd.s32 $0xFFFFFF81, v2;
	s5 =	smax.u32 s7, $0x1;
	s6 =	simm.s32 $0x1;
	s7 =	simm.s32 $0x800  }
.LBB2_6:
0xa: {  	s8 =	sadd.s32 $0x1, s8  }
0xb: {  	p0 =	sne.s32 s8, s5  }
.Ltmp1:
0xc: {  	_ = 	snop;
	(pc) =	sbr.rel @!p0 .LBB2_7-.Ltmp1, $4  }
0xd: {  	[hbm4b:s4+s2] =	stream.linear.scatter [tilespmem:s7], [sflag:$0x1], $0x1000, $0x38;
	[tilespmem:$0x1800] =	vst v63  }
0xe: {  	_ =	swait.ge [sflag:s6], $0x1000  }
0xf: {  	[sflag:s6] =	ssyncset.done $0x0  }
0x10: {  	[sflag:s6] =	ssyncadd.s32 $0xFFFFF000  }
.LBB2_1:
.Ltmp2:
0x11: {  	(pc) =	sbr.rel .LBB2_2-.Ltmp2, $4  }
0x12: {  	[tilespmem:s2], [sflag:$0x1] =	stream.linear.gather [hbm4b:s3+s2], $0x800, $0x38;
	[tilespmem:$0x1800] =	vst v63  }
0x13: {  	_ =	swait.ge [sflag:s6], $0x800  }
0x14: {  	[sflag:s6] =	ssyncset.done $0x0  }
0x15: {  	s9 =	simm.s32 $0x0;
	[sflag:s6] =	ssyncadd.s32 $0xFFFFF800  }
.LBB2_5:
0x16: {  	_ = 	snop  }
0x17: {  	v11 =	vbroadcast v13, $0xF;
	_ =	sdelay $0x1  }
0x18: {  	vm0 =	vlt.s32 v11, v4  }
0x19: {  	v62 =	vld.idx.msk [tilespmem:v12+s7+$0x0], $0xffff;
	v14 =	vor.u32 v0, v12;
	vm1 =	vlt.s32 v11, v6  }
0x1a: {  	v15 =	vor.u32 v5, v12;
	vm2 =	vlt.s32 v11, v8  }
0x1b: {  	s9 =	sadd.s32 $0x1, s9;
	vm3 =	vlt.s32 v11, v9;
	v11 =	vor.u32 v7, v12  }
0x1c: {  	v63 =	vor.u32 v10, v12;
	p0 =	sne.s32 s9, $0x40  }
.Ltmp3:
0x1d: {  	_ = 	snop;
	(pc) =	sbr.rel @!p0 .LBB2_6-.Ltmp3, $4  }
0x1e: {  	[tilespmem:v14+s7+$0x0] =	vst.idx.msk vm0, v62  }
0x1f: {  	[tilespmem:v15+s7+$0x0] =	vst.idx.msk vm1, v62  }
0x20: {  	[tilespmem:v11+s7+$0x0] =	vst.idx.msk vm2, v62  }
0x21: {  	[tilespmem:v63+s7+$0x0] =	vst.idx.msk vm3, v62  }
.LBB2_2:
0x22: {  	s10 =	sshll.u32 s9, $0x5  }
0x23: {  	s10 =	sand.u32 $0x3FFFFFE0, s10  }
0x24: {  	v11 =	vld [tilespmem:s10+$0x10]  }
0x25: {  	v12 =	vld [tilespmem:s10+$0x0];
	_ =	sdelay $0x3  }
0x26: {  	v11 =	vtrunc.f32 v11  }
0x27: {  	v12 =	vtrunc.f32 v12;
	v11 =	vcvt.f32.s32 v11  }
0x28: {  	v12 =	vcvt.f32.s32 v12  }
0x29: {  	v11 =	vshll.u32 v11, $0x10  }
0x2a: {  	v11 =	vor.u32 v12, v11  }
0x2b: {  	v14 =	vpcnt v11;
	vm0 =	vne.s32 v11, $0x0  }
0x2c: {  	(xrf0) =	vadd.scan.msk.s32 $0xffff, v14;
	v12 =	vsel vm0, $0x3F800000, v1  }
0x2d: {  	(xrf0) =	vmax.scan.msk.f32 $0xffff, v12;
	_ =	sdelay $0x4  }
0x2e: {  	v13, _, _ =	vpop (xrf0)  }
0x2f: {  	v12, _, _ =	vpop (xrf0)  }
0x30: {  	(v2sf) =	vpush v12, $0xF;
	_ =	sdelay $0xe  }
0x31: {  	s30 =	spop (v2sf)  }
0x32: {  	p0 =	sgt.f32 s30, $0.0e+00  }
.Ltmp4:
0x33: {  	_ = 	snop;
	(pc) =	sbr.rel @!p0 .LBB2_5-.Ltmp4, $3  }
0x34: {  	_ =	sdelay $0x1  }
0x35: {  	s31 =	sshll.u32 s9, $0x6  }
0x36: {  	v12 =	vmov s31  }
0x37: {  	v14 =	vsub.s32 v13, v14  }
0x38: {  	v16 =	vimm.s32 $0x0;
	v15 =	vadd.s32 v12, v14  }
.LBB2_4:
0x39: {  	v18 =	vadd.s32 v16, v14  }
0x3a: {  	v17 =	vsub.s32 $0x0, v11;
	vm1 =	vlt.s32 v18, $0x40;
	v18 =	vadd.s32 $0xFFFFFFFF, v11  }
0x3b: {  	v17 =	vand.u32 v17, v11;
	v11 =	vand.u32 v11, v18  }
0x3c: {  	vm1 =	vmand vm0, vm1;
	v18 =	vsel vm0, $0x1, v3;
	vm0 =	vne.s32 v11, $0x0  }
0x3d: {  	v19 =	vsel vm0, $0x3F800000, v1  }
0x3e: {  	(xrf0) =	vmax.scan.msk.f32 $0xffff, v19;
	_ =	sdelay $0x5  }
0x3f: {  	v19, _, _ =	vpop (xrf0)  }
0x40: {  	(v2sf) =	vpush v19, $0xF;
	_ =	sdelay $0xe  }
0x41: {  	s10 =	spop (v2sf)  }
0x42: {  	v17 =	vcvt.s32.f32 v17;
	v19 =	vadd.s32 v15, v16;
	p0 =	sgt.f32 s10, $0.0e+00  }
.Ltmp5:
0x43: {  	_ = 	snop;
	(pc) =	sbr.rel @p0 .LBB2_4-.Ltmp5, $4  }
0x44: {  	v17 =	vshrl.u32 v17, $0x17  }
0x45: {  	v17 =	vand.u32 $0xFF, v17  }
0x46: {  	v17 =	vadd.s32 v2, v17  }
0x47: {  	v16 =	vadd.s32 v18, v16;
	[tilespmem:v19+s7+$0x0] =	vst.idx.msk vm1, v17  }
.Ltmp6:
0x48: {  	_ = 	snop;
	(pc) =	sbr.rel .LBB2_5-.Ltmp6, $1  }
0x49: {  	_ =	sdelay $0x3  }
.LBB2_7:
0x4a: {  	_ =	sfence.sel $0x180000  }
0x4b: {  	[bflag:$0x0] =	sbarrier.arrive $0xFFFF  }
0x4c: {  	p0 =	sne.s32 s1, $0x0;
	_ =	strace $0x9000004A  }
0x4d: {  	s0 =	sadd.s32 @!p0 $0x100000, s0;
	[bflag:$0x2] =	sbarrier.arrive $0xFFFF  }
0x4e: {  	[sflag:s0] =	ssyncadd.tile.s32 @!p0 $0x1;
	_ =	shalt  }
.Lfunc_end2:
_tile_overlayer_lowered:
.L_overlay_start_2:
0x4f: {  	(tag) =	ssettag $0x2  }
0x50: {  	s0 =	rddreg [dreg:$0x0];
	s2 =	stileid.u32  }
0x51: {  	s1 =	rddreg [dreg:$0x1];
	p0 =	sne.s32 s2, $0x0  }
0x52: {  	s3 =	rddreg [dreg:$0x2];
	[bflag:$0x3] =	sbarrier.arrive $0xFFFF;
	s2 =	simm.s32 @!p0 $0x1C01  }
0x53: {  	[timem:s3], [sflag:s2] =	dma.local @!p0 [hbm:s0], s1  }
0x54: {  	s0 =	simm.s32 @!p0 $0x1  }
0x55: {  	_ =	swait.ge @!p0 [sflag:s0], s1  }
0x56: {  	s1 =	ssub.s32 @!p0 $0x0, s1;
	[sflag:s0] =	ssyncset.done @!p0 $0x0  }
0x57: {  	[sflag:s0] =	ssyncadd.s32 @!p0 s1  }
0x58: {  	[bflag:$0x3] =	sbarrier.arrive $0xFFFF  }
0x59: {  	_ =	shalt  }

</sc_bundles>
